<compile_context>
chip_gen: v7x
topology: tpu7x:2x2x1
jax: 0.10.2.dev20260603
libtpu: 0.0.44.dev20260713+nightly
codegen_flags: <defaults>
</compile_context>

<pallas_src>
import functools

import numpy as np
import jax
import jax.numpy as jnp
from jax import lax
from jax.experimental import pallas as pl
from jax.experimental.pallas import tpu as pltpu
from jax.experimental.pallas import tpu_sc as plsc

_B, _T = 16, 32768
_NW = 32
_C = _T // _NW
_P = 1152
_W = _P + _C
_L = 16

_SAMPLE_RATE = 44100
_NUM_VOICES = 4
_RATE = 1.5


def _packed_delays() -> np.ndarray:
    base_delay = int(20.0 * _SAMPLE_RATE / 1000)
    range_samples = int(10.0 * _SAMPLE_RATE / 1000 * 0.5)
    tf = np.arange(_T, dtype=np.float64)
    ti = np.arange(_T, dtype=np.int64)
    deltas = np.empty((_NUM_VOICES, _T), dtype=np.int64)
    for i in range(_NUM_VOICES):
        phase = (i / _NUM_VOICES + tf * _RATE / _SAMPLE_RATE) % 1.0
        mod = np.sin(2 * np.pi * phase)
        delay = base_delay + np.trunc(mod * range_samples).astype(np.int64)
        delay = np.clip(delay, 1, 2047)
        deltas[i] = np.where(ti >= delay, delay, _P + (ti % _C) - (ti % _L))
    assert deltas.min() >= 0 and deltas.max() < 65536
    packed = np.empty((2, _T), dtype=np.int32)
    packed[0] = (deltas[0] | (deltas[1] << 16)).astype(np.uint32).view(np.int32)
    packed[1] = (deltas[2] | (deltas[3] << 16)).astype(np.uint32).view(np.int32)
    return packed


_LIDX = _packed_delays()


def _chorus_sc(x, lidx):
    mesh = plsc.VectorSubcoreMesh(core_axis_name="c", subcore_axis_name="s")

    @functools.partial(
        pl.kernel,
        mesh=mesh,
        compiler_params=pltpu.CompilerParams(needs_layout_passes=False),
        out_type=jax.ShapeDtypeStruct((_B, _T), jnp.float32),
        scratch_types=[
            pltpu.VMEM((_B, _W), jnp.float32),
            pltpu.VMEM((2 * _C,), jnp.int32),
            pltpu.VMEM((_B, _C), jnp.float32),
            pltpu.SemaphoreType.DMA,
        ],
    )
    def k(x_hbm, lidx_hbm, out_hbm, xw, idxv, outv, sem):
        nc = 2
        wid = lax.axis_index("s") * nc + lax.axis_index("c")
        t0 = wid * _C

        h_idx = [
            pltpu.async_copy(lidx_hbm.at[pl.ds(i * _T + t0, _C)],
                             idxv.at[pl.ds(i * _C, _C)], sem)
            for i in range(2)
        ]

        zero = jnp.zeros((_L,), jnp.float32)

        @pl.when(wid == 0)
        def _():
            for b in range(_B):
                xw[b, pl.ds(0, _L)] = zero
            pltpu.async_copy(
                x_hbm.at[:, pl.ds(0, _C)],
                xw.at[:, pl.ds(_P, _C)], sem).wait()

        @pl.when(wid == 1)
        def _():
            for b in range(_B):
                xw[b, pl.ds(0, _L)] = zero
            pltpu.async_copy(
                x_hbm.at[:, pl.ds(0, 2 * _C)],
                xw.at[:, pl.ds(_P - _C, 2 * _C)], sem).wait()

        @pl.when(wid >= 2)
        def _():
            pltpu.async_copy(
                x_hbm.at[:, pl.ds(t0 - _P, _W)],
                xw.at[:, pl.ds(0, _W)], sem).wait()

        for h in h_idx:
            h.wait()

        rows = [jnp.full((_L,), b, jnp.int32) for b in range(_B)]
        lane = lax.iota(jnp.int32, _L)
        mask16 = jnp.full((_L,), 0xFFFF, jnp.int32)
        sh16 = jnp.full((_L,), 16, jnp.int32)

        @plsc.parallel_loop(0, _C // _L)
        def _body(v):
            base = v * _L
            tvec = lane + (_P + base)
            w01 = idxv[pl.ds(base, _L)]
            w23 = idxv[pl.ds(_C + base, _L)]
            ivs = [tvec - (w01 & mask16),
                   tvec - lax.shift_right_logical(w01, sh16),
                   tvec - (w23 & mask16),
                   tvec - lax.shift_right_logical(w23, sh16)]
            for b in range(_B):
                g = plsc.load_gather(xw, [rows[b], ivs[0]])
                for i in range(1, _NUM_VOICES):
                    g = g + plsc.load_gather(xw, [rows[b], ivs[i]])
                dry = xw[b, pl.ds(_P + base, _L)]
                outv[b, pl.ds(base, _L)] = dry * 0.5 + g * 0.125

        pltpu.async_copy(outv, out_hbm.at[:, pl.ds(t0, _C)], sem).wait()

    return k(x, jnp.asarray(lidx).reshape(-1))


def kernel(x):
    return _chorus_sc(x, _LIDX)

# --- scband reference (transcript-rebuilt; emitter-appended) ---
"""Pipeline reference for scband-chorus-73160472920641 (READ-ONLY COPY).

The authoritative reference and input builder live on the scoring server;
editing this copy changes nothing except your own understanding.
"""

import jax, jax.numpy as jnp
import numpy as np

SAMPLE_RATE = 44100
NUM_VOICES = 4
BASE_DELAY_MS = 20.0
DELAY_RANGE_MS = 10.0
RATE = 1.5
DEPTH = 0.5
MIX = 0.5


def _next_power_of_2(n):
    if n <= 0:
        return 1
    n -= 1
    n |= n >> 1
    n |= n >> 2
    n |= n >> 4
    n |= n >> 8
    n |= n >> 16
    return n + 1


def setup_inputs(seed: int = 0) -> dict:
    key = jax.random.key(seed)
    x = jax.random.normal(key, (16, 32768), dtype=jnp.float32)
    return {"x": x}


def reference(x):
    # Faithful vectorization of the per-sample circular-buffer chorus.
    # At time t, buffer holds samples max(0, t - buffer_size + 1) .. t, and
    # read_idx = (t - delay) & mask with 1 <= delay <= buffer_size - 1, so the
    # read value is exactly x[t - delay] when t - delay >= 0, else 0 (buffer
    # initialized to zeros). Delays depend only on t, so we precompute them.
    B, T = x.shape
    base_delay_samples = int(BASE_DELAY_MS * SAMPLE_RATE / 1000)  # 882
    range_samples = int(DELAY_RANGE_MS * SAMPLE_RATE / 1000 * DEPTH)  # 220
    max_delay = int((BASE_DELAY_MS + DELAY_RANGE_MS) * SAMPLE_RATE / 1000) + 10
    buffer_size = _next_power_of_2(max_delay)  # 2048

    t = np.arange(T, dtype=np.float64)
    wet = jnp.zeros_like(x)
    for i in range(NUM_VOICES):
        phase_offset = i / NUM_VOICES
        phase = (phase_offset + t * RATE / SAMPLE_RATE) % 1.0
        mod = np.sin(2 * np.pi * phase)
        # int() in python truncates toward zero -> np.trunc
        delay = base_delay_samples + np.trunc(mod * range_samples).astype(np.int64)
        delay = np.clip(delay, 1, buffer_size - 1)
        idx = np.arange(T, dtype=np.int64) - delay
        valid = jnp.asarray(idx >= 0)
        idx_clipped = jnp.asarray(np.clip(idx, 0, None))
        gathered = jnp.take(x, idx_clipped, axis=1)
        gathered = jnp.where(valid[None, :], gathered, 0.0)
        wet = wet + gathered
    wet = wet / NUM_VOICES
    output = x * (1.0 - MIX) + wet * MIX
    return output

if __name__ == "__main__":
    import jax
    _d = setup_inputs()
    print(jax.jit(kernel)(*tuple(_d.values())))

</pallas_src>

<mosaic_0001>
#map = affine_map<(d0, d1) -> (0, 0)>
#map1 = affine_map<(d0, d1) -> (0)>
module attributes {stable_mosaic.version = 14 : i64} {
  func.func @k(%arg0: i32, %arg1: i32, %arg2: memref<16x32768xf32, #tpu.memory_space<hbm>>, %arg3: memref<65536xi32, #tpu.memory_space<hbm>>, %arg4: memref<16x32768xf32, #tpu.memory_space<hbm>>, %arg5: memref<16x2176xf32, #tpu.memory_space<vmem>>, %arg6: memref<2048xi32, #tpu.memory_space<vmem>>, %arg7: memref<16x1024xf32, #tpu.memory_space<vmem>>, %arg8: memref<!tpu.dma_semaphore, #tpu.memory_space<semaphore_mem>>) attributes {dimension_semantics = [#tpu.dimension_semantics<core_parallel>, #tpu.dimension_semantics<subcore_parallel>], iteration_bounds = array<i64: 2, 16>, scalar_prefetch = 0 : i64, scratch_operands = 4 : i64, tpu.core_type = #tpu.core_type<sc_vector_subcore>, window_params = [{transform_indices = #map}, {transform_indices = #map1}, {transform_indices = #map}]} {
    %mul3A = arith.constant 2 : i32
    %mul3A_0 = arith.muli %arg1, %mul3A : i32
    %add3A = arith.addi %mul3A_0, %arg0 : i32
    %mul3A_1 = arith.constant 1024 : i32
    %mul3A_2 = arith.muli %add3A, %mul3A_1 : i32
    %add3A_3 = arith.constant 0 : i32
    %add3A_4 = arith.addi %add3A_3, %mul3A_2 : i32
    %dma_start3A = arith.constant 0 : i32
    %dma_start3A_5 = tpu.memref_slice %arg6[%dma_start3A] : memref<2048xi32, #tpu.memory_space<vmem>> -> memref<1024xi32, #tpu.memory_space<vmem>>
    %dma_start3A_6 = tpu.memref_slice %arg3[%add3A_4] : memref<65536xi32, #tpu.memory_space<hbm>> -> memref<1024xi32, #tpu.memory_space<hbm>>
    %dma_start3A_7 = arith.constant 0 : i32
    %dma_start3A_8 = tpu.memref_slice %arg6[%dma_start3A_7] : memref<2048xi32, #tpu.memory_space<vmem>> -> memref<1024xi32, #tpu.memory_space<vmem>>
    %dma_start3A_9 = tpu.memref_slice %arg3[%add3A_4] : memref<65536xi32, #tpu.memory_space<hbm>> -> memref<1024xi32, #tpu.memory_space<hbm>>
    tpu.enqueue_dma source(%dma_start3A_9 : memref<1024xi32, #tpu.memory_space<hbm>>) target(%dma_start3A_8 : memref<1024xi32, #tpu.memory_space<vmem>>) target_semaphore(%arg8 : memref<!tpu.dma_semaphore, #tpu.memory_space<semaphore_mem>>)
    %add3A_10 = arith.constant 32768 : i32
    %add3A_11 = arith.addi %add3A_10, %mul3A_2 : i32
    %dma_start3A_12 = arith.constant 1024 : i32
    %dma_start3A_13 = tpu.memref_slice %arg6[%dma_start3A_12] : memref<2048xi32, #tpu.memory_space<vmem>> -> memref<1024xi32, #tpu.memory_space<vmem>>
    %dma_start3A_14 = tpu.memref_slice %arg3[%add3A_11] : memref<65536xi32, #tpu.memory_space<hbm>> -> memref<1024xi32, #tpu.memory_space<hbm>>
    %dma_start3A_15 = arith.constant 1024 : i32
    %dma_start3A_16 = tpu.memref_slice %arg6[%dma_start3A_15] : memref<2048xi32, #tpu.memory_space<vmem>> -> memref<1024xi32, #tpu.memory_space<vmem>>
    %dma_start3A_17 = tpu.memref_slice %arg3[%add3A_11] : memref<65536xi32, #tpu.memory_space<hbm>> -> memref<1024xi32, #tpu.memory_space<hbm>>
    tpu.enqueue_dma source(%dma_start3A_17 : memref<1024xi32, #tpu.memory_space<hbm>>) target(%dma_start3A_16 : memref<1024xi32, #tpu.memory_space<vmem>>) target_semaphore(%arg8 : memref<!tpu.dma_semaphore, #tpu.memory_space<semaphore_mem>>)
    %broadcast_in_dim3A = arith.constant 0.000000e+00 : f32
    %broadcast_in_dim3A_18 = vector.broadcast %broadcast_in_dim3A : f32 to vector<16xf32>
    %eq3A = arith.constant 0 : i32
    %eq3A_19 = arith.cmpi eq, %add3A, %eq3A : i32
    %convert_element_type3A = arith.extui %eq3A_19 : i1 to i32
    %cond3A = arith.constant 0 : i32
    %cond3A_20 = arith.cmpi ne, %convert_element_type3A, %cond3A : i32
    scf.if %cond3A_20 {
      %swap3A = arith.constant 0 : i32
      %swap3A_87 = arith.index_cast %swap3A : i32 to index
      %swap3A_88 = arith.constant 0 : index
      %swap3A_89 = tpu.vector_load %arg5[%swap3A_87, %swap3A_88] {strides = array<i32>} : memref<16x2176xf32, #tpu.memory_space<vmem>>, vector<16xf32>,
      tpu.vector_store %arg5[%swap3A_87, %swap3A_88], %broadcast_in_dim3A_18 {strides = array<i32>} : memref<16x2176xf32, #tpu.memory_space<vmem>>, vector<16xf32>,
      %swap3A_90 = arith.constant 1 : i32
      %swap3A_91 = arith.index_cast %swap3A_90 : i32 to index
      %swap3A_92 = arith.constant 0 : index
      %swap3A_93 = tpu.vector_load %arg5[%swap3A_91, %swap3A_92] {strides = array<i32>} : memref<16x2176xf32, #tpu.memory_space<vmem>>, vector<16xf32>,
      tpu.vector_store %arg5[%swap3A_91, %swap3A_92], %broadcast_in_dim3A_18 {strides = array<i32>} : memref<16x2176xf32, #tpu.memory_space<vmem>>, vector<16xf32>,
      %swap3A_94 = arith.constant 2 : i32
      %swap3A_95 = arith.index_cast %swap3A_94 : i32 to index
      %swap3A_96 = arith.constant 0 : index
      %swap3A_97 = tpu.vector_load %arg5[%swap3A_95, %swap3A_96] {strides = array<i32>} : memref<16x2176xf32, #tpu.memory_space<vmem>>, vector<16xf32>,
      tpu.vector_store %arg5[%swap3A_95, %swap3A_96], %broadcast_in_dim3A_18 {strides = array<i32>} : memref<16x2176xf32, #tpu.memory_space<vmem>>, vector<16xf32>,
      %swap3A_98 = arith.constant 3 : i32
      %swap3A_99 = arith.index_cast %swap3A_98 : i32 to index
      %swap3A_100 = arith.constant 0 : index
      %swap3A_101 = tpu.vector_load %arg5[%swap3A_99, %swap3A_100] {strides = array<i32>} : memref<16x2176xf32, #tpu.memory_space<vmem>>, vector<16xf32>,
      tpu.vector_store %arg5[%swap3A_99, %swap3A_100], %broadcast_in_dim3A_18 {strides = array<i32>} : memref<16x2176xf32, #tpu.memory_space<vmem>>, vector<16xf32>,
      %swap3A_102 = arith.constant 4 : i32
      %swap3A_103 = arith.index_cast %swap3A_102 : i32 to index
      %swap3A_104 = arith.constant 0 : index
      %swap3A_105 = tpu.vector_load %arg5[%swap3A_103, %swap3A_104] {strides = array<i32>} : memref<16x2176xf32, #tpu.memory_space<vmem>>, vector<16xf32>,
      tpu.vector_store %arg5[%swap3A_103, %swap3A_104], %broadcast_in_dim3A_18 {strides = array<i32>} : memref<16x2176xf32, #tpu.memory_space<vmem>>, vector<16xf32>,
      %swap3A_106 = arith.constant 5 : i32
      %swap3A_107 = arith.index_cast %swap3A_106 : i32 to index
      %swap3A_108 = arith.constant 0 : index
      %swap3A_109 = tpu.vector_load %arg5[%swap3A_107, %swap3A_108] {strides = array<i32>} : memref<16x2176xf32, #tpu.memory_space<vmem>>, vector<16xf32>,
      tpu.vector_store %arg5[%swap3A_107, %swap3A_108], %broadcast_in_dim3A_18 {strides = array<i32>} : memref<16x2176xf32, #tpu.memory_space<vmem>>, vector<16xf32>,
      %swap3A_110 = arith.constant 6 : i32
      %swap3A_111 = arith.index_cast %swap3A_110 : i32 to index
      %swap3A_112 = arith.constant 0 : index
      %swap3A_113 = tpu.vector_load %arg5[%swap3A_111, %swap3A_112] {strides = array<i32>} : memref<16x2176xf32, #tpu.memory_space<vmem>>, vector<16xf32>,
      tpu.vector_store %arg5[%swap3A_111, %swap3A_112], %broadcast_in_dim3A_18 {strides = array<i32>} : memref<16x2176xf32, #tpu.memory_space<vmem>>, vector<16xf32>,
      %swap3A_114 = arith.constant 7 : i32
      %swap3A_115 = arith.index_cast %swap3A_114 : i32 to index
      %swap3A_116 = arith.constant 0 : index
      %swap3A_117 = tpu.vector_load %arg5[%swap3A_115, %swap3A_116] {strides = array<i32>} : memref<16x2176xf32, #tpu.memory_space<vmem>>, vector<16xf32>,
      tpu.vector_store %arg5[%swap3A_115, %swap3A_116], %broadcast_in_dim3A_18 {strides = array<i32>} : memref<16x2176xf32, #tpu.memory_space<vmem>>, vector<16xf32>,
      %swap3A_118 = arith.constant 8 : i32
      %swap3A_119 = arith.index_cast %swap3A_118 : i32 to index
      %swap3A_120 = arith.constant 0 : index
      %swap3A_121 = tpu.vector_load %arg5[%swap3A_119, %swap3A_120] {strides = array<i32>} : memref<16x2176xf32, #tpu.memory_space<vmem>>, vector<16xf32>,
      tpu.vector_store %arg5[%swap3A_119, %swap3A_120], %broadcast_in_dim3A_18 {strides = array<i32>} : memref<16x2176xf32, #tpu.memory_space<vmem>>, vector<16xf32>,
      %swap3A_122 = arith.constant 9 : i32
      %swap3A_123 = arith.index_cast %swap3A_122 : i32 to index
      %swap3A_124 = arith.constant 0 : index
      %swap3A_125 = tpu.vector_load %arg5[%swap3A_123, %swap3A_124] {strides = array<i32>} : memref<16x2176xf32, #tpu.memory_space<vmem>>, vector<16xf32>,
      tpu.vector_store %arg5[%swap3A_123, %swap3A_124], %broadcast_in_dim3A_18 {strides = array<i32>} : memref<16x2176xf32, #tpu.memory_space<vmem>>, vector<16xf32>,
      %swap3A_126 = arith.constant 10 : i32
      %swap3A_127 = arith.index_cast %swap3A_126 : i32 to index
      %swap3A_128 = arith.constant 0 : index
      %swap3A_129 = tpu.vector_load %arg5[%swap3A_127, %swap3A_128] {strides = array<i32>} : memref<16x2176xf32, #tpu.memory_space<vmem>>, vector<16xf32>,
      tpu.vector_store %arg5[%swap3A_127, %swap3A_128], %broadcast_in_dim3A_18 {strides = array<i32>} : memref<16x2176xf32, #tpu.memory_space<vmem>>, vector<16xf32>,
      %swap3A_130 = arith.constant 11 : i32
      %swap3A_131 = arith.index_cast %swap3A_130 : i32 to index
      %swap3A_132 = arith.constant 0 : index
      %swap3A_133 = tpu.vector_load %arg5[%swap3A_131, %swap3A_132] {strides = array<i32>} : memref<16x2176xf32, #tpu.memory_space<vmem>>, vector<16xf32>,
      tpu.vector_store %arg5[%swap3A_131, %swap3A_132], %broadcast_in_dim3A_18 {strides = array<i32>} : memref<16x2176xf32, #tpu.memory_space<vmem>>, vector<16xf32>,
      %swap3A_134 = arith.constant 12 : i32
      %swap3A_135 = arith.index_cast %swap3A_134 : i32 to index
      %swap3A_136 = arith.constant 0 : index
      %swap3A_137 = tpu.vector_load %arg5[%swap3A_135, %swap3A_136] {strides = array<i32>} : memref<16x2176xf32, #tpu.memory_space<vmem>>, vector<16xf32>,
      tpu.vector_store %arg5[%swap3A_135, %swap3A_136], %broadcast_in_dim3A_18 {strides = array<i32>} : memref<16x2176xf32, #tpu.memory_space<vmem>>, vector<16xf32>,
      %swap3A_138 = arith.constant 13 : i32
      %swap3A_139 = arith.index_cast %swap3A_138 : i32 to index
      %swap3A_140 = arith.constant 0 : index
      %swap3A_141 = tpu.vector_load %arg5[%swap3A_139, %swap3A_140] {strides = array<i32>} : memref<16x2176xf32, #tpu.memory_space<vmem>>, vector<16xf32>,
      tpu.vector_store %arg5[%swap3A_139, %swap3A_140], %broadcast_in_dim3A_18 {strides = array<i32>} : memref<16x2176xf32, #tpu.memory_space<vmem>>, vector<16xf32>,
      %swap3A_142 = arith.constant 14 : i32
      %swap3A_143 = arith.index_cast %swap3A_142 : i32 to index
      %swap3A_144 = arith.constant 0 : index
      %swap3A_145 = tpu.vector_load %arg5[%swap3A_143, %swap3A_144] {strides = array<i32>} : memref<16x2176xf32, #tpu.memory_space<vmem>>, vector<16xf32>,
      tpu.vector_store %arg5[%swap3A_143, %swap3A_144], %broadcast_in_dim3A_18 {strides = array<i32>} : memref<16x2176xf32, #tpu.memory_space<vmem>>, vector<16xf32>,
      %swap3A_146 = arith.constant 15 : i32
      %swap3A_147 = arith.index_cast %swap3A_146 : i32 to index
      %swap3A_148 = arith.constant 0 : index
      %swap3A_149 = tpu.vector_load %arg5[%swap3A_147, %swap3A_148] {strides = array<i32>} : memref<16x2176xf32, #tpu.memory_space<vmem>>, vector<16xf32>,
      tpu.vector_store %arg5[%swap3A_147, %swap3A_148], %broadcast_in_dim3A_18 {strides = array<i32>} : memref<16x2176xf32, #tpu.memory_space<vmem>>, vector<16xf32>,
      %dma_start3A_150 = arith.constant 0 : i32
      %dma_start3A_151 = arith.constant 1152 : i32
      %dma_start3A_152 = tpu.memref_slice %arg5[%dma_start3A_150, %dma_start3A_151] : memref<16x2176xf32, #tpu.memory_space<vmem>> -> memref<16x1024xf32, #tpu.memory_space<vmem>>
      %dma_start3A_153 = arith.constant 0 : i32
      %dma_start3A_154 = arith.constant 0 : i32
      %dma_start3A_155 = tpu.memref_slice %arg2[%dma_start3A_153, %dma_start3A_154] : memref<16x32768xf32, #tpu.memory_space<hbm>> -> memref<16x1024xf32, #tpu.memory_space<hbm>>
      %dma_start3A_156 = arith.constant 0 : i32
      %dma_start3A_157 = arith.constant 1152 : i32
      %dma_start3A_158 = tpu.memref_slice %arg5[%dma_start3A_156, %dma_start3A_157] : memref<16x2176xf32, #tpu.memory_space<vmem>> -> memref<16x1024xf32, #tpu.memory_space<vmem>>
      %dma_start3A_159 = arith.constant 0 : i32
      %dma_start3A_160 = arith.constant 0 : i32
      %dma_start3A_161 = tpu.memref_slice %arg2[%dma_start3A_159, %dma_start3A_160] : memref<16x32768xf32, #tpu.memory_space<hbm>> -> memref<16x1024xf32, #tpu.memory_space<hbm>>
      tpu.enqueue_dma source(%dma_start3A_161 : memref<16x1024xf32, #tpu.memory_space<hbm>>) target(%dma_start3A_158 : memref<16x1024xf32, #tpu.memory_space<vmem>>) target_semaphore(%arg8 : memref<!tpu.dma_semaphore, #tpu.memory_space<semaphore_mem>>)
      %dma_wait3A_162 = arith.constant 0 : i32
      %dma_wait3A_163 = arith.constant 1152 : i32
      %dma_wait3A_164 = tpu.memref_slice %arg5[%dma_wait3A_162, %dma_wait3A_163] : memref<16x2176xf32, #tpu.memory_space<vmem>> -> memref<16x1024xf32, #tpu.memory_space<vmem>>
      %dma_wait3A_165 = arith.constant 0 : i32
      %dma_wait3A_166 = arith.constant 0 : i32
      %dma_wait3A_167 = tpu.memref_slice %arg2[%dma_wait3A_165, %dma_wait3A_166] : memref<16x32768xf32, #tpu.memory_space<hbm>> -> memref<16x1024xf32, #tpu.memory_space<hbm>>
      %dma_wait3A_168 = arith.constant 0 : i32
      %dma_wait3A_169 = arith.constant 1152 : i32
      %dma_wait3A_170 = tpu.memref_slice %arg5[%dma_wait3A_168, %dma_wait3A_169] : memref<16x2176xf32, #tpu.memory_space<vmem>> -> memref<16x1024xf32, #tpu.memory_space<vmem>>
      %dma_wait3A_171 = arith.constant 0 : i32
      %dma_wait3A_172 = arith.constant 0 : i32
      %dma_wait3A_173 = tpu.memref_slice %arg2[%dma_wait3A_171, %dma_wait3A_172] : memref<16x32768xf32, #tpu.memory_space<hbm>> -> memref<16x1024xf32, #tpu.memory_space<hbm>>
      tpu.wait_dma2 semaphore(%arg8 : memref<!tpu.dma_semaphore, #tpu.memory_space<semaphore_mem>>) src(%dma_wait3A_173 : memref<16x1024xf32, #tpu.memory_space<hbm>>) dst(%dma_wait3A_170 : memref<16x1024xf32, #tpu.memory_space<vmem>>)
    } else {
    }
    %eq3A_21 = arith.constant 1 : i32
    %eq3A_22 = arith.cmpi eq, %add3A, %eq3A_21 : i32
    %convert_element_type3A_23 = arith.extui %eq3A_22 : i1 to i32
    %cond3A_24 = arith.constant 0 : i32
    %cond3A_25 = arith.cmpi ne, %convert_element_type3A_23, %cond3A_24 : i32
    scf.if %cond3A_25 {
      %swap3A = arith.constant 0 : i32
      %swap3A_87 = arith.index_cast %swap3A : i32 to index
      %swap3A_88 = arith.constant 0 : index
      %swap3A_89 = tpu.vector_load %arg5[%swap3A_87, %swap3A_88] {strides = array<i32>} : memref<16x2176xf32, #tpu.memory_space<vmem>>, vector<16xf32>,
      tpu.vector_store %arg5[%swap3A_87, %swap3A_88], %broadcast_in_dim3A_18 {strides = array<i32>} : memref<16x2176xf32, #tpu.memory_space<vmem>>, vector<16xf32>,
      %swap3A_90 = arith.constant 1 : i32
      %swap3A_91 = arith.index_cast %swap3A_90 : i32 to index
      %swap3A_92 = arith.constant 0 : index
      %swap3A_93 = tpu.vector_load %arg5[%swap3A_91, %swap3A_92] {strides = array<i32>} : memref<16x2176xf32, #tpu.memory_space<vmem>>, vector<16xf32>,
      tpu.vector_store %arg5[%swap3A_91, %swap3A_92], %broadcast_in_dim3A_18 {strides = array<i32>} : memref<16x2176xf32, #tpu.memory_space<vmem>>, vector<16xf32>,
      %swap3A_94 = arith.constant 2 : i32
      %swap3A_95 = arith.index_cast %swap3A_94 : i32 to index
      %swap3A_96 = arith.constant 0 : index
      %swap3A_97 = tpu.vector_load %arg5[%swap3A_95, %swap3A_96] {strides = array<i32>} : memref<16x2176xf32, #tpu.memory_space<vmem>>, vector<16xf32>,
      tpu.vector_store %arg5[%swap3A_95, %swap3A_96], %broadcast_in_dim3A_18 {strides = array<i32>} : memref<16x2176xf32, #tpu.memory_space<vmem>>, vector<16xf32>,
      %swap3A_98 = arith.constant 3 : i32
      %swap3A_99 = arith.index_cast %swap3A_98 : i32 to index
      %swap3A_100 = arith.constant 0 : index
      %swap3A_101 = tpu.vector_load %arg5[%swap3A_99, %swap3A_100] {strides = array<i32>} : memref<16x2176xf32, #tpu.memory_space<vmem>>, vector<16xf32>,
      tpu.vector_store %arg5[%swap3A_99, %swap3A_100], %broadcast_in_dim3A_18 {strides = array<i32>} : memref<16x2176xf32, #tpu.memory_space<vmem>>, vector<16xf32>,
      %swap3A_102 = arith.constant 4 : i32
      %swap3A_103 = arith.index_cast %swap3A_102 : i32 to index
      %swap3A_104 = arith.constant 0 : index
      %swap3A_105 = tpu.vector_load %arg5[%swap3A_103, %swap3A_104] {strides = array<i32>} : memref<16x2176xf32, #tpu.memory_space<vmem>>, vector<16xf32>,
      tpu.vector_store %arg5[%swap3A_103, %swap3A_104], %broadcast_in_dim3A_18 {strides = array<i32>} : memref<16x2176xf32, #tpu.memory_space<vmem>>, vector<16xf32>,
      %swap3A_106 = arith.constant 5 : i32
      %swap3A_107 = arith.index_cast %swap3A_106 : i32 to index
      %swap3A_108 = arith.constant 0 : index
      %swap3A_109 = tpu.vector_load %arg5[%swap3A_107, %swap3A_108] {strides = array<i32>} : memref<16x2176xf32, #tpu.memory_space<vmem>>, vector<16xf32>,
      tpu.vector_store %arg5[%swap3A_107, %swap3A_108], %broadcast_in_dim3A_18 {strides = array<i32>} : memref<16x2176xf32, #tpu.memory_space<vmem>>, vector<16xf32>,
      %swap3A_110 = arith.constant 6 : i32
      %swap3A_111 = arith.index_cast %swap3A_110 : i32 to index
      %swap3A_112 = arith.constant 0 : index
      %swap3A_113 = tpu.vector_load %arg5[%swap3A_111, %swap3A_112] {strides = array<i32>} : memref<16x2176xf32, #tpu.memory_space<vmem>>, vector<16xf32>,
      tpu.vector_store %arg5[%swap3A_111, %swap3A_112], %broadcast_in_dim3A_18 {strides = array<i32>} : memref<16x2176xf32, #tpu.memory_space<vmem>>, vector<16xf32>,
      %swap3A_114 = arith.constant 7 : i32
      %swap3A_115 = arith.index_cast %swap3A_114 : i32 to index
      %swap3A_116 = arith.constant 0 : index
      %swap3A_117 = tpu.vector_load %arg5[%swap3A_115, %swap3A_116] {strides = array<i32>} : memref<16x2176xf32, #tpu.memory_space<vmem>>, vector<16xf32>,
      tpu.vector_store %arg5[%swap3A_115, %swap3A_116], %broadcast_in_dim3A_18 {strides = array<i32>} : memref<16x2176xf32, #tpu.memory_space<vmem>>, vector<16xf32>,
      %swap3A_118 = arith.constant 8 : i32
      %swap3A_119 = arith.index_cast %swap3A_118 : i32 to index
      %swap3A_120 = arith.constant 0 : index
      %swap3A_121 = tpu.vector_load %arg5[%swap3A_119, %swap3A_120] {strides = array<i32>} : memref<16x2176xf32, #tpu.memory_space<vmem>>, vector<16xf32>,
      tpu.vector_store %arg5[%swap3A_119, %swap3A_120], %broadcast_in_dim3A_18 {strides = array<i32>} : memref<16x2176xf32, #tpu.memory_space<vmem>>, vector<16xf32>,
      %swap3A_122 = arith.constant 9 : i32
      %swap3A_123 = arith.index_cast %swap3A_122 : i32 to index
      %swap3A_124 = arith.constant 0 : index
      %swap3A_125 = tpu.vector_load %arg5[%swap3A_123, %swap3A_124] {strides = array<i32>} : memref<16x2176xf32, #tpu.memory_space<vmem>>, vector<16xf32>,
      tpu.vector_store %arg5[%swap3A_123, %swap3A_124], %broadcast_in_dim3A_18 {strides = array<i32>} : memref<16x2176xf32, #tpu.memory_space<vmem>>, vector<16xf32>,
      %swap3A_126 = arith.constant 10 : i32
      %swap3A_127 = arith.index_cast %swap3A_126 : i32 to index
      %swap3A_128 = arith.constant 0 : index
      %swap3A_129 = tpu.vector_load %arg5[%swap3A_127, %swap3A_128] {strides = array<i32>} : memref<16x2176xf32, #tpu.memory_space<vmem>>, vector<16xf32>,
      tpu.vector_store %arg5[%swap3A_127, %swap3A_128], %broadcast_in_dim3A_18 {strides = array<i32>} : memref<16x2176xf32, #tpu.memory_space<vmem>>, vector<16xf32>,
      %swap3A_130 = arith.constant 11 : i32
      %swap3A_131 = arith.index_cast %swap3A_130 : i32 to index
      %swap3A_132 = arith.constant 0 : index
      %swap3A_133 = tpu.vector_load %arg5[%swap3A_131, %swap3A_132] {strides = array<i32>} : memref<16x2176xf32, #tpu.memory_space<vmem>>, vector<16xf32>,
      tpu.vector_store %arg5[%swap3A_131, %swap3A_132], %broadcast_in_dim3A_18 {strides = array<i32>} : memref<16x2176xf32, #tpu.memory_space<vmem>>, vector<16xf32>,
      %swap3A_134 = arith.constant 12 : i32
      %swap3A_135 = arith.index_cast %swap3A_134 : i32 to index
      %swap3A_136 = arith.constant 0 : index
      %swap3A_137 = tpu.vector_load %arg5[%swap3A_135, %swap3A_136] {strides = array<i32>} : memref<16x2176xf32, #tpu.memory_space<vmem>>, vector<16xf32>,
      tpu.vector_store %arg5[%swap3A_135, %swap3A_136], %broadcast_in_dim3A_18 {strides = array<i32>} : memref<16x2176xf32, #tpu.memory_space<vmem>>, vector<16xf32>,
      %swap3A_138 = arith.constant 13 : i32
      %swap3A_139 = arith.index_cast %swap3A_138 : i32 to index
      %swap3A_140 = arith.constant 0 : index
      %swap3A_141 = tpu.vector_load %arg5[%swap3A_139, %swap3A_140] {strides = array<i32>} : memref<16x2176xf32, #tpu.memory_space<vmem>>, vector<16xf32>,
      tpu.vector_store %arg5[%swap3A_139, %swap3A_140], %broadcast_in_dim3A_18 {strides = array<i32>} : memref<16x2176xf32, #tpu.memory_space<vmem>>, vector<16xf32>,
      %swap3A_142 = arith.constant 14 : i32
      %swap3A_143 = arith.index_cast %swap3A_142 : i32 to index
      %swap3A_144 = arith.constant 0 : index
      %swap3A_145 = tpu.vector_load %arg5[%swap3A_143, %swap3A_144] {strides = array<i32>} : memref<16x2176xf32, #tpu.memory_space<vmem>>, vector<16xf32>,
      tpu.vector_store %arg5[%swap3A_143, %swap3A_144], %broadcast_in_dim3A_18 {strides = array<i32>} : memref<16x2176xf32, #tpu.memory_space<vmem>>, vector<16xf32>,
      %swap3A_146 = arith.constant 15 : i32
      %swap3A_147 = arith.index_cast %swap3A_146 : i32 to index
      %swap3A_148 = arith.constant 0 : index
      %swap3A_149 = tpu.vector_load %arg5[%swap3A_147, %swap3A_148] {strides = array<i32>} : memref<16x2176xf32, #tpu.memory_space<vmem>>, vector<16xf32>,
      tpu.vector_store %arg5[%swap3A_147, %swap3A_148], %broadcast_in_dim3A_18 {strides = array<i32>} : memref<16x2176xf32, #tpu.memory_space<vmem>>, vector<16xf32>,
      %dma_start3A_150 = arith.constant 0 : i32
      %dma_start3A_151 = arith.constant 128 : i32
      %dma_start3A_152 = tpu.memref_slice %arg5[%dma_start3A_150, %dma_start3A_151] : memref<16x2176xf32, #tpu.memory_space<vmem>> -> memref<16x2048xf32, #tpu.memory_space<vmem>>
      %dma_start3A_153 = arith.constant 0 : i32
      %dma_start3A_154 = arith.constant 0 : i32
      %dma_start3A_155 = tpu.memref_slice %arg2[%dma_start3A_153, %dma_start3A_154] : memref<16x32768xf32, #tpu.memory_space<hbm>> -> memref<16x2048xf32, #tpu.memory_space<hbm>>
      %dma_start3A_156 = arith.constant 0 : i32
      %dma_start3A_157 = arith.constant 128 : i32
      %dma_start3A_158 = tpu.memref_slice %arg5[%dma_start3A_156, %dma_start3A_157] : memref<16x2176xf32, #tpu.memory_space<vmem>> -> memref<16x2048xf32, #tpu.memory_space<vmem>>
      %dma_start3A_159 = arith.constant 0 : i32
      %dma_start3A_160 = arith.constant 0 : i32
      %dma_start3A_161 = tpu.memref_slice %arg2[%dma_start3A_159, %dma_start3A_160] : memref<16x32768xf32, #tpu.memory_space<hbm>> -> memref<16x2048xf32, #tpu.memory_space<hbm>>
      tpu.enqueue_dma source(%dma_start3A_161 : memref<16x2048xf32, #tpu.memory_space<hbm>>) target(%dma_start3A_158 : memref<16x2048xf32, #tpu.memory_space<vmem>>) target_semaphore(%arg8 : memref<!tpu.dma_semaphore, #tpu.memory_space<semaphore_mem>>)
      %dma_wait3A_162 = arith.constant 0 : i32
      %dma_wait3A_163 = arith.constant 128 : i32
      %dma_wait3A_164 = tpu.memref_slice %arg5[%dma_wait3A_162, %dma_wait3A_163] : memref<16x2176xf32, #tpu.memory_space<vmem>> -> memref<16x2048xf32, #tpu.memory_space<vmem>>
      %dma_wait3A_165 = arith.constant 0 : i32
      %dma_wait3A_166 = arith.constant 0 : i32
      %dma_wait3A_167 = tpu.memref_slice %arg2[%dma_wait3A_165, %dma_wait3A_166] : memref<16x32768xf32, #tpu.memory_space<hbm>> -> memref<16x2048xf32, #tpu.memory_space<hbm>>
      %dma_wait3A_168 = arith.constant 0 : i32
      %dma_wait3A_169 = arith.constant 128 : i32
      %dma_wait3A_170 = tpu.memref_slice %arg5[%dma_wait3A_168, %dma_wait3A_169] : memref<16x2176xf32, #tpu.memory_space<vmem>> -> memref<16x2048xf32, #tpu.memory_space<vmem>>
      %dma_wait3A_171 = arith.constant 0 : i32
      %dma_wait3A_172 = arith.constant 0 : i32
      %dma_wait3A_173 = tpu.memref_slice %arg2[%dma_wait3A_171, %dma_wait3A_172] : memref<16x32768xf32, #tpu.memory_space<hbm>> -> memref<16x2048xf32, #tpu.memory_space<hbm>>
      tpu.wait_dma2 semaphore(%arg8 : memref<!tpu.dma_semaphore, #tpu.memory_space<semaphore_mem>>) src(%dma_wait3A_173 : memref<16x2048xf32, #tpu.memory_space<hbm>>) dst(%dma_wait3A_170 : memref<16x2048xf32, #tpu.memory_space<vmem>>)
    } else {
    }
    %ge3A = arith.constant 2 : i32
    %ge3A_26 = arith.cmpi sge, %add3A, %ge3A : i32
    %convert_element_type3A_27 = arith.extui %ge3A_26 : i1 to i32
    %cond3A_28 = arith.constant 0 : i32
    %cond3A_29 = arith.cmpi ne, %convert_element_type3A_27, %cond3A_28 : i32
    scf.if %cond3A_29 {
      %sub3A = arith.constant 1152 : i32
      %sub3A_87 = arith.subi %mul3A_2, %sub3A : i32
      %dma_start3A_88 = arith.constant 0 : i32
      %dma_start3A_89 = arith.constant 0 : i32
      %dma_start3A_90 = tpu.memref_slice %arg5[%dma_start3A_88, %dma_start3A_89] : memref<16x2176xf32, #tpu.memory_space<vmem>> -> memref<16x2176xf32, #tpu.memory_space<vmem>>
      %dma_start3A_91 = arith.constant 0 : i32
      %dma_start3A_92 = tpu.memref_slice %arg2[%dma_start3A_91, %sub3A_87] : memref<16x32768xf32, #tpu.memory_space<hbm>> -> memref<16x2176xf32, #tpu.memory_space<hbm>>
      %dma_start3A_93 = arith.constant 0 : i32
      %dma_start3A_94 = arith.constant 0 : i32
      %dma_start3A_95 = tpu.memref_slice %arg5[%dma_start3A_93, %dma_start3A_94] : memref<16x2176xf32, #tpu.memory_space<vmem>> -> memref<16x2176xf32, #tpu.memory_space<vmem>>
      %dma_start3A_96 = arith.constant 0 : i32
      %dma_start3A_97 = tpu.memref_slice %arg2[%dma_start3A_96, %sub3A_87] : memref<16x32768xf32, #tpu.memory_space<hbm>> -> memref<16x2176xf32, #tpu.memory_space<hbm>>
      tpu.enqueue_dma source(%dma_start3A_97 : memref<16x2176xf32, #tpu.memory_space<hbm>>) target(%dma_start3A_95 : memref<16x2176xf32, #tpu.memory_space<vmem>>) target_semaphore(%arg8 : memref<!tpu.dma_semaphore, #tpu.memory_space<semaphore_mem>>)
      %dma_wait3A_98 = arith.constant 0 : i32
      %dma_wait3A_99 = arith.constant 0 : i32
      %dma_wait3A_100 = tpu.memref_slice %arg5[%dma_wait3A_98, %dma_wait3A_99] : memref<16x2176xf32, #tpu.memory_space<vmem>> -> memref<16x2176xf32, #tpu.memory_space<vmem>>
      %dma_wait3A_101 = arith.constant 0 : i32
      %dma_wait3A_102 = tpu.memref_slice %arg2[%dma_wait3A_101, %sub3A_87] : memref<16x32768xf32, #tpu.memory_space<hbm>> -> memref<16x2176xf32, #tpu.memory_space<hbm>>
      %dma_wait3A_103 = arith.constant 0 : i32
      %dma_wait3A_104 = arith.constant 0 : i32
      %dma_wait3A_105 = tpu.memref_slice %arg5[%dma_wait3A_103, %dma_wait3A_104] : memref<16x2176xf32, #tpu.memory_space<vmem>> -> memref<16x2176xf32, #tpu.memory_space<vmem>>
      %dma_wait3A_106 = arith.constant 0 : i32
      %dma_wait3A_107 = tpu.memref_slice %arg2[%dma_wait3A_106, %sub3A_87] : memref<16x32768xf32, #tpu.memory_space<hbm>> -> memref<16x2176xf32, #tpu.memory_space<hbm>>
      tpu.wait_dma2 semaphore(%arg8 : memref<!tpu.dma_semaphore, #tpu.memory_space<semaphore_mem>>) src(%dma_wait3A_107 : memref<16x2176xf32, #tpu.memory_space<hbm>>) dst(%dma_wait3A_105 : memref<16x2176xf32, #tpu.memory_space<vmem>>)
    } else {
    }
    %dma_wait3A = arith.constant 0 : i32
    %dma_wait3A_30 = tpu.memref_slice %arg6[%dma_wait3A] : memref<2048xi32, #tpu.memory_space<vmem>> -> memref<1024xi32, #tpu.memory_space<vmem>>
    %dma_wait3A_31 = tpu.memref_slice %arg3[%add3A_4] : memref<65536xi32, #tpu.memory_space<hbm>> -> memref<1024xi32, #tpu.memory_space<hbm>>
    %dma_wait3A_32 = arith.constant 0 : i32
    %dma_wait3A_33 = tpu.memref_slice %arg6[%dma_wait3A_32] : memref<2048xi32, #tpu.memory_space<vmem>> -> memref<1024xi32, #tpu.memory_space<vmem>>
    %dma_wait3A_34 = tpu.memref_slice %arg3[%add3A_4] : memref<65536xi32, #tpu.memory_space<hbm>> -> memref<1024xi32, #tpu.memory_space<hbm>>
    tpu.wait_dma2 semaphore(%arg8 : memref<!tpu.dma_semaphore, #tpu.memory_space<semaphore_mem>>) src(%dma_wait3A_34 : memref<1024xi32, #tpu.memory_space<hbm>>) dst(%dma_wait3A_33 : memref<1024xi32, #tpu.memory_space<vmem>>)
    %dma_wait3A_35 = arith.constant 1024 : i32
    %dma_wait3A_36 = tpu.memref_slice %arg6[%dma_wait3A_35] : memref<2048xi32, #tpu.memory_space<vmem>> -> memref<1024xi32, #tpu.memory_space<vmem>>
    %dma_wait3A_37 = tpu.memref_slice %arg3[%add3A_11] : memref<65536xi32, #tpu.memory_space<hbm>> -> memref<1024xi32, #tpu.memory_space<hbm>>
    %dma_wait3A_38 = arith.constant 1024 : i32
    %dma_wait3A_39 = tpu.memref_slice %arg6[%dma_wait3A_38] : memref<2048xi32, #tpu.memory_space<vmem>> -> memref<1024xi32, #tpu.memory_space<vmem>>
    %dma_wait3A_40 = tpu.memref_slice %arg3[%add3A_11] : memref<65536xi32, #tpu.memory_space<hbm>> -> memref<1024xi32, #tpu.memory_space<hbm>>
    tpu.wait_dma2 semaphore(%arg8 : memref<!tpu.dma_semaphore, #tpu.memory_space<semaphore_mem>>) src(%dma_wait3A_40 : memref<1024xi32, #tpu.memory_space<hbm>>) dst(%dma_wait3A_39 : memref<1024xi32, #tpu.memory_space<vmem>>)
    %broadcast_in_dim3A_41 = arith.constant 0 : i32
    %broadcast_in_dim3A_42 = vector.broadcast %broadcast_in_dim3A_41 : i32 to vector<16xi32>
    %broadcast_in_dim3A_43 = arith.constant 1 : i32
    %broadcast_in_dim3A_44 = vector.broadcast %broadcast_in_dim3A_43 : i32 to vector<16xi32>
    %broadcast_in_dim3A_45 = arith.constant 2 : i32
    %broadcast_in_dim3A_46 = vector.broadcast %broadcast_in_dim3A_45 : i32 to vector<16xi32>
    %broadcast_in_dim3A_47 = arith.constant 3 : i32
    %broadcast_in_dim3A_48 = vector.broadcast %broadcast_in_dim3A_47 : i32 to vector<16xi32>
    %broadcast_in_dim3A_49 = arith.constant 4 : i32
    %broadcast_in_dim3A_50 = vector.broadcast %broadcast_in_dim3A_49 : i32 to vector<16xi32>
    %broadcast_in_dim3A_51 = arith.constant 5 : i32
    %broadcast_in_dim3A_52 = vector.broadcast %broadcast_in_dim3A_51 : i32 to vector<16xi32>
    %broadcast_in_dim3A_53 = arith.constant 6 : i32
    %broadcast_in_dim3A_54 = vector.broadcast %broadcast_in_dim3A_53 : i32 to vector<16xi32>
    %broadcast_in_dim3A_55 = arith.constant 7 : i32
    %broadcast_in_dim3A_56 = vector.broadcast %broadcast_in_dim3A_55 : i32 to vector<16xi32>
    %broadcast_in_dim3A_57 = arith.constant 8 : i32
    %broadcast_in_dim3A_58 = vector.broadcast %broadcast_in_dim3A_57 : i32 to vector<16xi32>
    %broadcast_in_dim3A_59 = arith.constant 9 : i32
    %broadcast_in_dim3A_60 = vector.broadcast %broadcast_in_dim3A_59 : i32 to vector<16xi32>
    %broadcast_in_dim3A_61 = arith.constant 10 : i32
    %broadcast_in_dim3A_62 = vector.broadcast %broadcast_in_dim3A_61 : i32 to vector<16xi32>
    %broadcast_in_dim3A_63 = arith.constant 11 : i32
    %broadcast_in_dim3A_64 = vector.broadcast %broadcast_in_dim3A_63 : i32 to vector<16xi32>
    %broadcast_in_dim3A_65 = arith.constant 12 : i32
    %broadcast_in_dim3A_66 = vector.broadcast %broadcast_in_dim3A_65 : i32 to vector<16xi32>
    %broadcast_in_dim3A_67 = arith.constant 13 : i32
    %broadcast_in_dim3A_68 = vector.broadcast %broadcast_in_dim3A_67 : i32 to vector<16xi32>
    %broadcast_in_dim3A_69 = arith.constant 14 : i32
    %broadcast_in_dim3A_70 = vector.broadcast %broadcast_in_dim3A_69 : i32 to vector<16xi32>
    %broadcast_in_dim3A_71 = arith.constant 15 : i32
    %broadcast_in_dim3A_72 = vector.broadcast %broadcast_in_dim3A_71 : i32 to vector<16xi32>
    %iota3A = tpu.iota {dimensions = array<i32: 0>} : vector<16xi32>
    %broadcast_in_dim3A_73 = arith.constant 65535 : i32
    %broadcast_in_dim3A_74 = vector.broadcast %broadcast_in_dim3A_73 : i32 to vector<16xi32>
    %broadcast_in_dim3A_75 = arith.constant 16 : i32
    %broadcast_in_dim3A_76 = vector.broadcast %broadcast_in_dim3A_75 : i32 to vector<16xi32>
    %parallel_loop3A = arith.constant 0 : i32
    %parallel_loop3A_77 = arith.constant 64 : i32
    %parallel_loop3A_78 = arith.constant 1 : i32
    scf.for %parallel_loop3A_87 = %parallel_loop3A to %parallel_loop3A_77 step %parallel_loop3A_78  : i32 {
      %parallel_loop3A_88 = arith.constant 16 : i32
      %parallel_loop3A_89 = arith.muli %parallel_loop3A_87, %parallel_loop3A_88 : i32
      %parallel_loop3A_90 = arith.constant 1152 : i32
      %parallel_loop3A_91 = arith.addi %parallel_loop3A_90, %parallel_loop3A_89 : i32
      %parallel_loop3A_92 = vector.broadcast %parallel_loop3A_91 : i32 to vector<16xi32>
      %parallel_loop3A_93 = arith.addi %iota3A, %parallel_loop3A_92 : vector<16xi32>
      %parallel_loop3A_94 = arith.index_cast %parallel_loop3A_89 : i32 to index
      %parallel_loop3A_95 = tpu.vector_load %arg6[%parallel_loop3A_94] {strides = array<i32>} : memref<2048xi32, #tpu.memory_space<vmem>>, vector<16xi32>,
      %parallel_loop3A_96 = arith.constant 1024 : i32
      %parallel_loop3A_97 = arith.addi %parallel_loop3A_96, %parallel_loop3A_89 : i32
      %parallel_loop3A_98 = arith.index_cast %parallel_loop3A_97 : i32 to index
      %parallel_loop3A_99 = tpu.vector_load %arg6[%parallel_loop3A_98] {strides = array<i32>} : memref<2048xi32, #tpu.memory_space<vmem>>, vector<16xi32>,
      %parallel_loop3A_100 = arith.andi %parallel_loop3A_95, %broadcast_in_dim3A_74 : vector<16xi32>
      %parallel_loop3A_101 = arith.subi %parallel_loop3A_93, %parallel_loop3A_100 : vector<16xi32>
      %parallel_loop3A_102 = arith.shrui %parallel_loop3A_95, %broadcast_in_dim3A_76 : vector<16xi32>
      %parallel_loop3A_103 = arith.subi %parallel_loop3A_93, %parallel_loop3A_102 : vector<16xi32>
      %parallel_loop3A_104 = arith.andi %parallel_loop3A_99, %broadcast_in_dim3A_74 : vector<16xi32>
      %parallel_loop3A_105 = arith.subi %parallel_loop3A_93, %parallel_loop3A_104 : vector<16xi32>
      %parallel_loop3A_106 = arith.shrui %parallel_loop3A_99, %broadcast_in_dim3A_76 : vector<16xi32>
      %parallel_loop3A_107 = arith.subi %parallel_loop3A_93, %parallel_loop3A_106 : vector<16xi32>
      %parallel_loop3A_108 = tpu.vector_load_idx %arg5[%broadcast_in_dim3A_42, %parallel_loop3A_101] : memref<16x2176xf32, #tpu.memory_space<vmem>>[vector<16xi32>, vector<16xi32>], vector<16xf32>,
      %parallel_loop3A_109 = tpu.vector_load_idx %arg5[%broadcast_in_dim3A_42, %parallel_loop3A_103] : memref<16x2176xf32, #tpu.memory_space<vmem>>[vector<16xi32>, vector<16xi32>], vector<16xf32>,
      %parallel_loop3A_110 = arith.addf %parallel_loop3A_108, %parallel_loop3A_109 : vector<16xf32>
      %parallel_loop3A_111 = tpu.vector_load_idx %arg5[%broadcast_in_dim3A_42, %parallel_loop3A_105] : memref<16x2176xf32, #tpu.memory_space<vmem>>[vector<16xi32>, vector<16xi32>], vector<16xf32>,
      %parallel_loop3A_112 = arith.addf %parallel_loop3A_110, %parallel_loop3A_111 : vector<16xf32>
      %parallel_loop3A_113 = tpu.vector_load_idx %arg5[%broadcast_in_dim3A_42, %parallel_loop3A_107] : memref<16x2176xf32, #tpu.memory_space<vmem>>[vector<16xi32>, vector<16xi32>], vector<16xf32>,
      %parallel_loop3A_114 = arith.addf %parallel_loop3A_112, %parallel_loop3A_113 : vector<16xf32>
      %parallel_loop3A_115 = arith.constant 1152 : i32
      %parallel_loop3A_116 = arith.addi %parallel_loop3A_115, %parallel_loop3A_89 : i32
      %parallel_loop3A_117 = arith.constant 0 : i32
      %parallel_loop3A_118 = arith.index_cast %parallel_loop3A_117 : i32 to index
      %parallel_loop3A_119 = arith.index_cast %parallel_loop3A_116 : i32 to index
      %parallel_loop3A_120 = tpu.vector_load %arg5[%parallel_loop3A_118, %parallel_loop3A_119] {strides = array<i32>} : memref<16x2176xf32, #tpu.memory_space<vmem>>, vector<16xf32>,
      %parallel_loop3A_121 = arith.constant 5.000000e-01 : f32
      %parallel_loop3A_122 = vector.broadcast %parallel_loop3A_121 : f32 to vector<16xf32>
      %parallel_loop3A_123 = arith.mulf %parallel_loop3A_120, %parallel_loop3A_122 : vector<16xf32>
      %parallel_loop3A_124 = arith.constant 1.250000e-01 : f32
      %parallel_loop3A_125 = vector.broadcast %parallel_loop3A_124 : f32 to vector<16xf32>
      %parallel_loop3A_126 = arith.mulf %parallel_loop3A_114, %parallel_loop3A_125 : vector<16xf32>
      %parallel_loop3A_127 = arith.addf %parallel_loop3A_123, %parallel_loop3A_126 : vector<16xf32>
      %parallel_loop3A_128 = arith.constant 0 : i32
      %parallel_loop3A_129 = arith.index_cast %parallel_loop3A_128 : i32 to index
      %parallel_loop3A_130 = arith.index_cast %parallel_loop3A_89 : i32 to index
      %parallel_loop3A_131 = tpu.vector_load %arg7[%parallel_loop3A_129, %parallel_loop3A_130] {strides = array<i32>} : memref<16x1024xf32, #tpu.memory_space<vmem>>, vector<16xf32>,
      tpu.vector_store %arg7[%parallel_loop3A_129, %parallel_loop3A_130], %parallel_loop3A_127 {strides = array<i32>} : memref<16x1024xf32, #tpu.memory_space<vmem>>, vector<16xf32>,
      %parallel_loop3A_132 = tpu.vector_load_idx %arg5[%broadcast_in_dim3A_44, %parallel_loop3A_101] : memref<16x2176xf32, #tpu.memory_space<vmem>>[vector<16xi32>, vector<16xi32>], vector<16xf32>,
      %parallel_loop3A_133 = tpu.vector_load_idx %arg5[%broadcast_in_dim3A_44, %parallel_loop3A_103] : memref<16x2176xf32, #tpu.memory_space<vmem>>[vector<16xi32>, vector<16xi32>], vector<16xf32>,
      %parallel_loop3A_134 = arith.addf %parallel_loop3A_132, %parallel_loop3A_133 : vector<16xf32>
      %parallel_loop3A_135 = tpu.vector_load_idx %arg5[%broadcast_in_dim3A_44, %parallel_loop3A_105] : memref<16x2176xf32, #tpu.memory_space<vmem>>[vector<16xi32>, vector<16xi32>], vector<16xf32>,
      %parallel_loop3A_136 = arith.addf %parallel_loop3A_134, %parallel_loop3A_135 : vector<16xf32>
      %parallel_loop3A_137 = tpu.vector_load_idx %arg5[%broadcast_in_dim3A_44, %parallel_loop3A_107] : memref<16x2176xf32, #tpu.memory_space<vmem>>[vector<16xi32>, vector<16xi32>], vector<16xf32>,
      %parallel_loop3A_138 = arith.addf %parallel_loop3A_136, %parallel_loop3A_137 : vector<16xf32>
      %parallel_loop3A_139 = arith.constant 1152 : i32
      %parallel_loop3A_140 = arith.addi %parallel_loop3A_139, %parallel_loop3A_89 : i32
      %parallel_loop3A_141 = arith.constant 1 : i32
      %parallel_loop3A_142 = arith.index_cast %parallel_loop3A_141 : i32 to index
      %parallel_loop3A_143 = arith.index_cast %parallel_loop3A_140 : i32 to index
      %parallel_loop3A_144 = tpu.vector_load %arg5[%parallel_loop3A_142, %parallel_loop3A_143] {strides = array<i32>} : memref<16x2176xf32, #tpu.memory_space<vmem>>, vector<16xf32>,
      %parallel_loop3A_145 = arith.constant 5.000000e-01 : f32
      %parallel_loop3A_146 = vector.broadcast %parallel_loop3A_145 : f32 to vector<16xf32>
      %parallel_loop3A_147 = arith.mulf %parallel_loop3A_144, %parallel_loop3A_146 : vector<16xf32>
      %parallel_loop3A_148 = arith.constant 1.250000e-01 : f32
      %parallel_loop3A_149 = vector.broadcast %parallel_loop3A_148 : f32 to vector<16xf32>
      %parallel_loop3A_150 = arith.mulf %parallel_loop3A_138, %parallel_loop3A_149 : vector<16xf32>
      %parallel_loop3A_151 = arith.addf %parallel_loop3A_147, %parallel_loop3A_150 : vector<16xf32>
      %parallel_loop3A_152 = arith.constant 1 : i32
      %parallel_loop3A_153 = arith.index_cast %parallel_loop3A_152 : i32 to index
      %parallel_loop3A_154 = arith.index_cast %parallel_loop3A_89 : i32 to index
      %parallel_loop3A_155 = tpu.vector_load %arg7[%parallel_loop3A_153, %parallel_loop3A_154] {strides = array<i32>} : memref<16x1024xf32, #tpu.memory_space<vmem>>, vector<16xf32>,
      tpu.vector_store %arg7[%parallel_loop3A_153, %parallel_loop3A_154], %parallel_loop3A_151 {strides = array<i32>} : memref<16x1024xf32, #tpu.memory_space<vmem>>, vector<16xf32>,
      %parallel_loop3A_156 = tpu.vector_load_idx %arg5[%broadcast_in_dim3A_46, %parallel_loop3A_101] : memref<16x2176xf32, #tpu.memory_space<vmem>>[vector<16xi32>, vector<16xi32>], vector<16xf32>,
      %parallel_loop3A_157 = tpu.vector_load_idx %arg5[%broadcast_in_dim3A_46, %parallel_loop3A_103] : memref<16x2176xf32, #tpu.memory_space<vmem>>[vector<16xi32>, vector<16xi32>], vector<16xf32>,
      %parallel_loop3A_158 = arith.addf %parallel_loop3A_156, %parallel_loop3A_157 : vector<16xf32>
      %parallel_loop3A_159 = tpu.vector_load_idx %arg5[%broadcast_in_dim3A_46, %parallel_loop3A_105] : memref<16x2176xf32, #tpu.memory_space<vmem>>[vector<16xi32>, vector<16xi32>], vector<16xf32>,
      %parallel_loop3A_160 = arith.addf %parallel_loop3A_158, %parallel_loop3A_159 : vector<16xf32>
      %parallel_loop3A_161 = tpu.vector_load_idx %arg5[%broadcast_in_dim3A_46, %parallel_loop3A_107] : memref<16x2176xf32, #tpu.memory_space<vmem>>[vector<16xi32>, vector<16xi32>], vector<16xf32>,
      %parallel_loop3A_162 = arith.addf %parallel_loop3A_160, %parallel_loop3A_161 : vector<16xf32>
      %parallel_loop3A_163 = arith.constant 1152 : i32
      %parallel_loop3A_164 = arith.addi %parallel_loop3A_163, %parallel_loop3A_89 : i32
      %parallel_loop3A_165 = arith.constant 2 : i32
      %parallel_loop3A_166 = arith.index_cast %parallel_loop3A_165 : i32 to index
      %parallel_loop3A_167 = arith.index_cast %parallel_loop3A_164 : i32 to index
      %parallel_loop3A_168 = tpu.vector_load %arg5[%parallel_loop3A_166, %parallel_loop3A_167] {strides = array<i32>} : memref<16x2176xf32, #tpu.memory_space<vmem>>, vector<16xf32>,
      %parallel_loop3A_169 = arith.constant 5.000000e-01 : f32
      %parallel_loop3A_170 = vector.broadcast %parallel_loop3A_169 : f32 to vector<16xf32>
      %parallel_loop3A_171 = arith.mulf %parallel_loop3A_168, %parallel_loop3A_170 : vector<16xf32>
      %parallel_loop3A_172 = arith.constant 1.250000e-01 : f32
      %parallel_loop3A_173 = vector.broadcast %parallel_loop3A_172 : f32 to vector<16xf32>
      %parallel_loop3A_174 = arith.mulf %parallel_loop3A_162, %parallel_loop3A_173 : vector<16xf32>
      %parallel_loop3A_175 = arith.addf %parallel_loop3A_171, %parallel_loop3A_174 : vector<16xf32>
      %parallel_loop3A_176 = arith.constant 2 : i32
      %parallel_loop3A_177 = arith.index_cast %parallel_loop3A_176 : i32 to index
      %parallel_loop3A_178 = arith.index_cast %parallel_loop3A_89 : i32 to index
      %parallel_loop3A_179 = tpu.vector_load %arg7[%parallel_loop3A_177, %parallel_loop3A_178] {strides = array<i32>} : memref<16x1024xf32, #tpu.memory_space<vmem>>, vector<16xf32>,
      tpu.vector_store %arg7[%parallel_loop3A_177, %parallel_loop3A_178], %parallel_loop3A_175 {strides = array<i32>} : memref<16x1024xf32, #tpu.memory_space<vmem>>, vector<16xf32>,
      %parallel_loop3A_180 = tpu.vector_load_idx %arg5[%broadcast_in_dim3A_48, %parallel_loop3A_101] : memref<16x2176xf32, #tpu.memory_space<vmem>>[vector<16xi32>, vector<16xi32>], vector<16xf32>,
      %parallel_loop3A_181 = tpu.vector_load_idx %arg5[%broadcast_in_dim3A_48, %parallel_loop3A_103] : memref<16x2176xf32, #tpu.memory_space<vmem>>[vector<16xi32>, vector<16xi32>], vector<16xf32>,
      %parallel_loop3A_182 = arith.addf %parallel_loop3A_180, %parallel_loop3A_181 : vector<16xf32>
      %parallel_loop3A_183 = tpu.vector_load_idx %arg5[%broadcast_in_dim3A_48, %parallel_loop3A_105] : memref<16x2176xf32, #tpu.memory_space<vmem>>[vector<16xi32>, vector<16xi32>], vector<16xf32>,
      %parallel_loop3A_184 = arith.addf %parallel_loop3A_182, %parallel_loop3A_183 : vector<16xf32>
      %parallel_loop3A_185 = tpu.vector_load_idx %arg5[%broadcast_in_dim3A_48, %parallel_loop3A_107] : memref<16x2176xf32, #tpu.memory_space<vmem>>[vector<16xi32>, vector<16xi32>], vector<16xf32>,
      %parallel_loop3A_186 = arith.addf %parallel_loop3A_184, %parallel_loop3A_185 : vector<16xf32>
      %parallel_loop3A_187 = arith.constant 1152 : i32
      %parallel_loop3A_188 = arith.addi %parallel_loop3A_187, %parallel_loop3A_89 : i32
      %parallel_loop3A_189 = arith.constant 3 : i32
      %parallel_loop3A_190 = arith.index_cast %parallel_loop3A_189 : i32 to index
      %parallel_loop3A_191 = arith.index_cast %parallel_loop3A_188 : i32 to index
      %parallel_loop3A_192 = tpu.vector_load %arg5[%parallel_loop3A_190, %parallel_loop3A_191] {strides = array<i32>} : memref<16x2176xf32, #tpu.memory_space<vmem>>, vector<16xf32>,
      %parallel_loop3A_193 = arith.constant 5.000000e-01 : f32
      %parallel_loop3A_194 = vector.broadcast %parallel_loop3A_193 : f32 to vector<16xf32>
      %parallel_loop3A_195 = arith.mulf %parallel_loop3A_192, %parallel_loop3A_194 : vector<16xf32>
      %parallel_loop3A_196 = arith.constant 1.250000e-01 : f32
      %parallel_loop3A_197 = vector.broadcast %parallel_loop3A_196 : f32 to vector<16xf32>
      %parallel_loop3A_198 = arith.mulf %parallel_loop3A_186, %parallel_loop3A_197 : vector<16xf32>
      %parallel_loop3A_199 = arith.addf %parallel_loop3A_195, %parallel_loop3A_198 : vector<16xf32>
      %parallel_loop3A_200 = arith.constant 3 : i32
      %parallel_loop3A_201 = arith.index_cast %parallel_loop3A_200 : i32 to index
      %parallel_loop3A_202 = arith.index_cast %parallel_loop3A_89 : i32 to index
      %parallel_loop3A_203 = tpu.vector_load %arg7[%parallel_loop3A_201, %parallel_loop3A_202] {strides = array<i32>} : memref<16x1024xf32, #tpu.memory_space<vmem>>, vector<16xf32>,
      tpu.vector_store %arg7[%parallel_loop3A_201, %parallel_loop3A_202], %parallel_loop3A_199 {strides = array<i32>} : memref<16x1024xf32, #tpu.memory_space<vmem>>, vector<16xf32>,
      %parallel_loop3A_204 = tpu.vector_load_idx %arg5[%broadcast_in_dim3A_50, %parallel_loop3A_101] : memref<16x2176xf32, #tpu.memory_space<vmem>>[vector<16xi32>, vector<16xi32>], vector<16xf32>,
      %parallel_loop3A_205 = tpu.vector_load_idx %arg5[%broadcast_in_dim3A_50, %parallel_loop3A_103] : memref<16x2176xf32, #tpu.memory_space<vmem>>[vector<16xi32>, vector<16xi32>], vector<16xf32>,
      %parallel_loop3A_206 = arith.addf %parallel_loop3A_204, %parallel_loop3A_205 : vector<16xf32>
      %parallel_loop3A_207 = tpu.vector_load_idx %arg5[%broadcast_in_dim3A_50, %parallel_loop3A_105] : memref<16x2176xf32, #tpu.memory_space<vmem>>[vector<16xi32>, vector<16xi32>], vector<16xf32>,
      %parallel_loop3A_208 = arith.addf %parallel_loop3A_206, %parallel_loop3A_207 : vector<16xf32>
      %parallel_loop3A_209 = tpu.vector_load_idx %arg5[%broadcast_in_dim3A_50, %parallel_loop3A_107] : memref<16x2176xf32, #tpu.memory_space<vmem>>[vector<16xi32>, vector<16xi32>], vector<16xf32>,
      %parallel_loop3A_210 = arith.addf %parallel_loop3A_208, %parallel_loop3A_209 : vector<16xf32>
      %parallel_loop3A_211 = arith.constant 1152 : i32
      %parallel_loop3A_212 = arith.addi %parallel_loop3A_211, %parallel_loop3A_89 : i32
      %parallel_loop3A_213 = arith.constant 4 : i32
      %parallel_loop3A_214 = arith.index_cast %parallel_loop3A_213 : i32 to index
      %parallel_loop3A_215 = arith.index_cast %parallel_loop3A_212 : i32 to index
      %parallel_loop3A_216 = tpu.vector_load %arg5[%parallel_loop3A_214, %parallel_loop3A_215] {strides = array<i32>} : memref<16x2176xf32, #tpu.memory_space<vmem>>, vector<16xf32>,
      %parallel_loop3A_217 = arith.constant 5.000000e-01 : f32
      %parallel_loop3A_218 = vector.broadcast %parallel_loop3A_217 : f32 to vector<16xf32>
      %parallel_loop3A_219 = arith.mulf %parallel_loop3A_216, %parallel_loop3A_218 : vector<16xf32>
      %parallel_loop3A_220 = arith.constant 1.250000e-01 : f32
      %parallel_loop3A_221 = vector.broadcast %parallel_loop3A_220 : f32 to vector<16xf32>
      %parallel_loop3A_222 = arith.mulf %parallel_loop3A_210, %parallel_loop3A_221 : vector<16xf32>
      %parallel_loop3A_223 = arith.addf %parallel_loop3A_219, %parallel_loop3A_222 : vector<16xf32>
      %parallel_loop3A_224 = arith.constant 4 : i32
      %parallel_loop3A_225 = arith.index_cast %parallel_loop3A_224 : i32 to index
      %parallel_loop3A_226 = arith.index_cast %parallel_loop3A_89 : i32 to index
      %parallel_loop3A_227 = tpu.vector_load %arg7[%parallel_loop3A_225, %parallel_loop3A_226] {strides = array<i32>} : memref<16x1024xf32, #tpu.memory_space<vmem>>, vector<16xf32>,
      tpu.vector_store %arg7[%parallel_loop3A_225, %parallel_loop3A_226], %parallel_loop3A_223 {strides = array<i32>} : memref<16x1024xf32, #tpu.memory_space<vmem>>, vector<16xf32>,
      %parallel_loop3A_228 = tpu.vector_load_idx %arg5[%broadcast_in_dim3A_52, %parallel_loop3A_101] : memref<16x2176xf32, #tpu.memory_space<vmem>>[vector<16xi32>, vector<16xi32>], vector<16xf32>,
      %parallel_loop3A_229 = tpu.vector_load_idx %arg5[%broadcast_in_dim3A_52, %parallel_loop3A_103] : memref<16x2176xf32, #tpu.memory_space<vmem>>[vector<16xi32>, vector<16xi32>], vector<16xf32>,
      %parallel_loop3A_230 = arith.addf %parallel_loop3A_228, %parallel_loop3A_229 : vector<16xf32>
      %parallel_loop3A_231 = tpu.vector_load_idx %arg5[%broadcast_in_dim3A_52, %parallel_loop3A_105] : memref<16x2176xf32, #tpu.memory_space<vmem>>[vector<16xi32>, vector<16xi32>], vector<16xf32>,
      %parallel_loop3A_232 = arith.addf %parallel_loop3A_230, %parallel_loop3A_231 : vector<16xf32>
      %parallel_loop3A_233 = tpu.vector_load_idx %arg5[%broadcast_in_dim3A_52, %parallel_loop3A_107] : memref<16x2176xf32, #tpu.memory_space<vmem>>[vector<16xi32>, vector<16xi32>], vector<16xf32>,
      %parallel_loop3A_234 = arith.addf %parallel_loop3A_232, %parallel_loop3A_233 : vector<16xf32>
      %parallel_loop3A_235 = arith.constant 1152 : i32
      %parallel_loop3A_236 = arith.addi %parallel_loop3A_235, %parallel_loop3A_89 : i32
      %parallel_loop3A_237 = arith.constant 5 : i32
      %parallel_loop3A_238 = arith.index_cast %parallel_loop3A_237 : i32 to index
      %parallel_loop3A_239 = arith.index_cast %parallel_loop3A_236 : i32 to index
      %parallel_loop3A_240 = tpu.vector_load %arg5[%parallel_loop3A_238, %parallel_loop3A_239] {strides = array<i32>} : memref<16x2176xf32, #tpu.memory_space<vmem>>, vector<16xf32>,
      %parallel_loop3A_241 = arith.constant 5.000000e-01 : f32
      %parallel_loop3A_242 = vector.broadcast %parallel_loop3A_241 : f32 to vector<16xf32>
      %parallel_loop3A_243 = arith.mulf %parallel_loop3A_240, %parallel_loop3A_242 : vector<16xf32>
      %parallel_loop3A_244 = arith.constant 1.250000e-01 : f32
      %parallel_loop3A_245 = vector.broadcast %parallel_loop3A_244 : f32 to vector<16xf32>
      %parallel_loop3A_246 = arith.mulf %parallel_loop3A_234, %parallel_loop3A_245 : vector<16xf32>
      %parallel_loop3A_247 = arith.addf %parallel_loop3A_243, %parallel_loop3A_246 : vector<16xf32>
      %parallel_loop3A_248 = arith.constant 5 : i32
      %parallel_loop3A_249 = arith.index_cast %parallel_loop3A_248 : i32 to index
      %parallel_loop3A_250 = arith.index_cast %parallel_loop3A_89 : i32 to index
      %parallel_loop3A_251 = tpu.vector_load %arg7[%parallel_loop3A_249, %parallel_loop3A_250] {strides = array<i32>} : memref<16x1024xf32, #tpu.memory_space<vmem>>, vector<16xf32>,
      tpu.vector_store %arg7[%parallel_loop3A_249, %parallel_loop3A_250], %parallel_loop3A_247 {strides = array<i32>} : memref<16x1024xf32, #tpu.memory_space<vmem>>, vector<16xf32>,
      %parallel_loop3A_252 = tpu.vector_load_idx %arg5[%broadcast_in_dim3A_54, %parallel_loop3A_101] : memref<16x2176xf32, #tpu.memory_space<vmem>>[vector<16xi32>, vector<16xi32>], vector<16xf32>,
      %parallel_loop3A_253 = tpu.vector_load_idx %arg5[%broadcast_in_dim3A_54, %parallel_loop3A_103] : memref<16x2176xf32, #tpu.memory_space<vmem>>[vector<16xi32>, vector<16xi32>], vector<16xf32>,
      %parallel_loop3A_254 = arith.addf %parallel_loop3A_252, %parallel_loop3A_253 : vector<16xf32>
      %parallel_loop3A_255 = tpu.vector_load_idx %arg5[%broadcast_in_dim3A_54, %parallel_loop3A_105] : memref<16x2176xf32, #tpu.memory_space<vmem>>[vector<16xi32>, vector<16xi32>], vector<16xf32>,
      %parallel_loop3A_256 = arith.addf %parallel_loop3A_254, %parallel_loop3A_255 : vector<16xf32>
      %parallel_loop3A_257 = tpu.vector_load_idx %arg5[%broadcast_in_dim3A_54, %parallel_loop3A_107] : memref<16x2176xf32, #tpu.memory_space<vmem>>[vector<16xi32>, vector<16xi32>], vector<16xf32>,
      %parallel_loop3A_258 = arith.addf %parallel_loop3A_256, %parallel_loop3A_257 : vector<16xf32>
      %parallel_loop3A_259 = arith.constant 1152 : i32
      %parallel_loop3A_260 = arith.addi %parallel_loop3A_259, %parallel_loop3A_89 : i32
      %parallel_loop3A_261 = arith.constant 6 : i32
      %parallel_loop3A_262 = arith.index_cast %parallel_loop3A_261 : i32 to index
      %parallel_loop3A_263 = arith.index_cast %parallel_loop3A_260 : i32 to index
      %parallel_loop3A_264 = tpu.vector_load %arg5[%parallel_loop3A_262, %parallel_loop3A_263] {strides = array<i32>} : memref<16x2176xf32, #tpu.memory_space<vmem>>, vector<16xf32>,
      %parallel_loop3A_265 = arith.constant 5.000000e-01 : f32
      %parallel_loop3A_266 = vector.broadcast %parallel_loop3A_265 : f32 to vector<16xf32>
      %parallel_loop3A_267 = arith.mulf %parallel_loop3A_264, %parallel_loop3A_266 : vector<16xf32>
      %parallel_loop3A_268 = arith.constant 1.250000e-01 : f32
      %parallel_loop3A_269 = vector.broadcast %parallel_loop3A_268 : f32 to vector<16xf32>
      %parallel_loop3A_270 = arith.mulf %parallel_loop3A_258, %parallel_loop3A_269 : vector<16xf32>
      %parallel_loop3A_271 = arith.addf %parallel_loop3A_267, %parallel_loop3A_270 : vector<16xf32>
      %parallel_loop3A_272 = arith.constant 6 : i32
      %parallel_loop3A_273 = arith.index_cast %parallel_loop3A_272 : i32 to index
      %parallel_loop3A_274 = arith.index_cast %parallel_loop3A_89 : i32 to index
      %parallel_loop3A_275 = tpu.vector_load %arg7[%parallel_loop3A_273, %parallel_loop3A_274] {strides = array<i32>} : memref<16x1024xf32, #tpu.memory_space<vmem>>, vector<16xf32>,
      tpu.vector_store %arg7[%parallel_loop3A_273, %parallel_loop3A_274], %parallel_loop3A_271 {strides = array<i32>} : memref<16x1024xf32, #tpu.memory_space<vmem>>, vector<16xf32>,
      %parallel_loop3A_276 = tpu.vector_load_idx %arg5[%broadcast_in_dim3A_56, %parallel_loop3A_101] : memref<16x2176xf32, #tpu.memory_space<vmem>>[vector<16xi32>, vector<16xi32>], vector<16xf32>,
      %parallel_loop3A_277 = tpu.vector_load_idx %arg5[%broadcast_in_dim3A_56, %parallel_loop3A_103] : memref<16x2176xf32, #tpu.memory_space<vmem>>[vector<16xi32>, vector<16xi32>], vector<16xf32>,
      %parallel_loop3A_278 = arith.addf %parallel_loop3A_276, %parallel_loop3A_277 : vector<16xf32>
      %parallel_loop3A_279 = tpu.vector_load_idx %arg5[%broadcast_in_dim3A_56, %parallel_loop3A_105] : memref<16x2176xf32, #tpu.memory_space<vmem>>[vector<16xi32>, vector<16xi32>], vector<16xf32>,
      %parallel_loop3A_280 = arith.addf %parallel_loop3A_278, %parallel_loop3A_279 : vector<16xf32>
      %parallel_loop3A_281 = tpu.vector_load_idx %arg5[%broadcast_in_dim3A_56, %parallel_loop3A_107] : memref<16x2176xf32, #tpu.memory_space<vmem>>[vector<16xi32>, vector<16xi32>], vector<16xf32>,
      %parallel_loop3A_282 = arith.addf %parallel_loop3A_280, %parallel_loop3A_281 : vector<16xf32>
      %parallel_loop3A_283 = arith.constant 1152 : i32
      %parallel_loop3A_284 = arith.addi %parallel_loop3A_283, %parallel_loop3A_89 : i32
      %parallel_loop3A_285 = arith.constant 7 : i32
      %parallel_loop3A_286 = arith.index_cast %parallel_loop3A_285 : i32 to index
      %parallel_loop3A_287 = arith.index_cast %parallel_loop3A_284 : i32 to index
      %parallel_loop3A_288 = tpu.vector_load %arg5[%parallel_loop3A_286, %parallel_loop3A_287] {strides = array<i32>} : memref<16x2176xf32, #tpu.memory_space<vmem>>, vector<16xf32>,
      %parallel_loop3A_289 = arith.constant 5.000000e-01 : f32
      %parallel_loop3A_290 = vector.broadcast %parallel_loop3A_289 : f32 to vector<16xf32>
      %parallel_loop3A_291 = arith.mulf %parallel_loop3A_288, %parallel_loop3A_290 : vector<16xf32>
      %parallel_loop3A_292 = arith.constant 1.250000e-01 : f32
      %parallel_loop3A_293 = vector.broadcast %parallel_loop3A_292 : f32 to vector<16xf32>
      %parallel_loop3A_294 = arith.mulf %parallel_loop3A_282, %parallel_loop3A_293 : vector<16xf32>
      %parallel_loop3A_295 = arith.addf %parallel_loop3A_291, %parallel_loop3A_294 : vector<16xf32>
      %parallel_loop3A_296 = arith.constant 7 : i32
      %parallel_loop3A_297 = arith.index_cast %parallel_loop3A_296 : i32 to index
      %parallel_loop3A_298 = arith.index_cast %parallel_loop3A_89 : i32 to index
      %parallel_loop3A_299 = tpu.vector_load %arg7[%parallel_loop3A_297, %parallel_loop3A_298] {strides = array<i32>} : memref<16x1024xf32, #tpu.memory_space<vmem>>, vector<16xf32>,
      tpu.vector_store %arg7[%parallel_loop3A_297, %parallel_loop3A_298], %parallel_loop3A_295 {strides = array<i32>} : memref<16x1024xf32, #tpu.memory_space<vmem>>, vector<16xf32>,
      %parallel_loop3A_300 = tpu.vector_load_idx %arg5[%broadcast_in_dim3A_58, %parallel_loop3A_101] : memref<16x2176xf32, #tpu.memory_space<vmem>>[vector<16xi32>, vector<16xi32>], vector<16xf32>,
      %parallel_loop3A_301 = tpu.vector_load_idx %arg5[%broadcast_in_dim3A_58, %parallel_loop3A_103] : memref<16x2176xf32, #tpu.memory_space<vmem>>[vector<16xi32>, vector<16xi32>], vector<16xf32>,
      %parallel_loop3A_302 = arith.addf %parallel_loop3A_300, %parallel_loop3A_301 : vector<16xf32>
      %parallel_loop3A_303 = tpu.vector_load_idx %arg5[%broadcast_in_dim3A_58, %parallel_loop3A_105] : memref<16x2176xf32, #tpu.memory_space<vmem>>[vector<16xi32>, vector<16xi32>], vector<16xf32>,
      %parallel_loop3A_304 = arith.addf %parallel_loop3A_302, %parallel_loop3A_303 : vector<16xf32>
      %parallel_loop3A_305 = tpu.vector_load_idx %arg5[%broadcast_in_dim3A_58, %parallel_loop3A_107] : memref<16x2176xf32, #tpu.memory_space<vmem>>[vector<16xi32>, vector<16xi32>], vector<16xf32>,
      %parallel_loop3A_306 = arith.addf %parallel_loop3A_304, %parallel_loop3A_305 : vector<16xf32>
      %parallel_loop3A_307 = arith.constant 1152 : i32
      %parallel_loop3A_308 = arith.addi %parallel_loop3A_307, %parallel_loop3A_89 : i32
      %parallel_loop3A_309 = arith.constant 8 : i32
      %parallel_loop3A_310 = arith.index_cast %parallel_loop3A_309 : i32 to index
      %parallel_loop3A_311 = arith.index_cast %parallel_loop3A_308 : i32 to index
      %parallel_loop3A_312 = tpu.vector_load %arg5[%parallel_loop3A_310, %parallel_loop3A_311] {strides = array<i32>} : memref<16x2176xf32, #tpu.memory_space<vmem>>, vector<16xf32>,
      %parallel_loop3A_313 = arith.constant 5.000000e-01 : f32
      %parallel_loop3A_314 = vector.broadcast %parallel_loop3A_313 : f32 to vector<16xf32>
      %parallel_loop3A_315 = arith.mulf %parallel_loop3A_312, %parallel_loop3A_314 : vector<16xf32>
      %parallel_loop3A_316 = arith.constant 1.250000e-01 : f32
      %parallel_loop3A_317 = vector.broadcast %parallel_loop3A_316 : f32 to vector<16xf32>
      %parallel_loop3A_318 = arith.mulf %parallel_loop3A_306, %parallel_loop3A_317 : vector<16xf32>
      %parallel_loop3A_319 = arith.addf %parallel_loop3A_315, %parallel_loop3A_318 : vector<16xf32>
      %parallel_loop3A_320 = arith.constant 8 : i32
      %parallel_loop3A_321 = arith.index_cast %parallel_loop3A_320 : i32 to index
      %parallel_loop3A_322 = arith.index_cast %parallel_loop3A_89 : i32 to index
      %parallel_loop3A_323 = tpu.vector_load %arg7[%parallel_loop3A_321, %parallel_loop3A_322] {strides = array<i32>} : memref<16x1024xf32, #tpu.memory_space<vmem>>, vector<16xf32>,
      tpu.vector_store %arg7[%parallel_loop3A_321, %parallel_loop3A_322], %parallel_loop3A_319 {strides = array<i32>} : memref<16x1024xf32, #tpu.memory_space<vmem>>, vector<16xf32>,
      %parallel_loop3A_324 = tpu.vector_load_idx %arg5[%broadcast_in_dim3A_60, %parallel_loop3A_101] : memref<16x2176xf32, #tpu.memory_space<vmem>>[vector<16xi32>, vector<16xi32>], vector<16xf32>,
      %parallel_loop3A_325 = tpu.vector_load_idx %arg5[%broadcast_in_dim3A_60, %parallel_loop3A_103] : memref<16x2176xf32, #tpu.memory_space<vmem>>[vector<16xi32>, vector<16xi32>], vector<16xf32>,
      %parallel_loop3A_326 = arith.addf %parallel_loop3A_324, %parallel_loop3A_325 : vector<16xf32>
      %parallel_loop3A_327 = tpu.vector_load_idx %arg5[%broadcast_in_dim3A_60, %parallel_loop3A_105] : memref<16x2176xf32, #tpu.memory_space<vmem>>[vector<16xi32>, vector<16xi32>], vector<16xf32>,
      %parallel_loop3A_328 = arith.addf %parallel_loop3A_326, %parallel_loop3A_327 : vector<16xf32>
      %parallel_loop3A_329 = tpu.vector_load_idx %arg5[%broadcast_in_dim3A_60, %parallel_loop3A_107] : memref<16x2176xf32, #tpu.memory_space<vmem>>[vector<16xi32>, vector<16xi32>], vector<16xf32>,
      %parallel_loop3A_330 = arith.addf %parallel_loop3A_328, %parallel_loop3A_329 : vector<16xf32>
      %parallel_loop3A_331 = arith.constant 1152 : i32
      %parallel_loop3A_332 = arith.addi %parallel_loop3A_331, %parallel_loop3A_89 : i32
      %parallel_loop3A_333 = arith.constant 9 : i32
      %parallel_loop3A_334 = arith.index_cast %parallel_loop3A_333 : i32 to index
      %parallel_loop3A_335 = arith.index_cast %parallel_loop3A_332 : i32 to index
      %parallel_loop3A_336 = tpu.vector_load %arg5[%parallel_loop3A_334, %parallel_loop3A_335] {strides = array<i32>} : memref<16x2176xf32, #tpu.memory_space<vmem>>, vector<16xf32>,
      %parallel_loop3A_337 = arith.constant 5.000000e-01 : f32
      %parallel_loop3A_338 = vector.broadcast %parallel_loop3A_337 : f32 to vector<16xf32>
      %parallel_loop3A_339 = arith.mulf %parallel_loop3A_336, %parallel_loop3A_338 : vector<16xf32>
      %parallel_loop3A_340 = arith.constant 1.250000e-01 : f32
      %parallel_loop3A_341 = vector.broadcast %parallel_loop3A_340 : f32 to vector<16xf32>
      %parallel_loop3A_342 = arith.mulf %parallel_loop3A_330, %parallel_loop3A_341 : vector<16xf32>
      %parallel_loop3A_343 = arith.addf %parallel_loop3A_339, %parallel_loop3A_342 : vector<16xf32>
      %parallel_loop3A_344 = arith.constant 9 : i32
      %parallel_loop3A_345 = arith.index_cast %parallel_loop3A_344 : i32 to index
      %parallel_loop3A_346 = arith.index_cast %parallel_loop3A_89 : i32 to index
      %parallel_loop3A_347 = tpu.vector_load %arg7[%parallel_loop3A_345, %parallel_loop3A_346] {strides = array<i32>} : memref<16x1024xf32, #tpu.memory_space<vmem>>, vector<16xf32>,
      tpu.vector_store %arg7[%parallel_loop3A_345, %parallel_loop3A_346], %parallel_loop3A_343 {strides = array<i32>} : memref<16x1024xf32, #tpu.memory_space<vmem>>, vector<16xf32>,
      %parallel_loop3A_348 = tpu.vector_load_idx %arg5[%broadcast_in_dim3A_62, %parallel_loop3A_101] : memref<16x2176xf32, #tpu.memory_space<vmem>>[vector<16xi32>, vector<16xi32>], vector<16xf32>,
      %parallel_loop3A_349 = tpu.vector_load_idx %arg5[%broadcast_in_dim3A_62, %parallel_loop3A_103] : memref<16x2176xf32, #tpu.memory_space<vmem>>[vector<16xi32>, vector<16xi32>], vector<16xf32>,
      %parallel_loop3A_350 = arith.addf %parallel_loop3A_348, %parallel_loop3A_349 : vector<16xf32>
      %parallel_loop3A_351 = tpu.vector_load_idx %arg5[%broadcast_in_dim3A_62, %parallel_loop3A_105] : memref<16x2176xf32, #tpu.memory_space<vmem>>[vector<16xi32>, vector<16xi32>], vector<16xf32>,
      %parallel_loop3A_352 = arith.addf %parallel_loop3A_350, %parallel_loop3A_351 : vector<16xf32>
      %parallel_loop3A_353 = tpu.vector_load_idx %arg5[%broadcast_in_dim3A_62, %parallel_loop3A_107] : memref<16x2176xf32, #tpu.memory_space<vmem>>[vector<16xi32>, vector<16xi32>], vector<16xf32>,
      %parallel_loop3A_354 = arith.addf %parallel_loop3A_352, %parallel_loop3A_353 : vector<16xf32>
      %parallel_loop3A_355 = arith.constant 1152 : i32
      %parallel_loop3A_356 = arith.addi %parallel_loop3A_355, %parallel_loop3A_89 : i32
      %parallel_loop3A_357 = arith.constant 10 : i32
      %parallel_loop3A_358 = arith.index_cast %parallel_loop3A_357 : i32 to index
      %parallel_loop3A_359 = arith.index_cast %parallel_loop3A_356 : i32 to index
      %parallel_loop3A_360 = tpu.vector_load %arg5[%parallel_loop3A_358, %parallel_loop3A_359] {strides = array<i32>} : memref<16x2176xf32, #tpu.memory_space<vmem>>, vector<16xf32>,
      %parallel_loop3A_361 = arith.constant 5.000000e-01 : f32
      %parallel_loop3A_362 = vector.broadcast %parallel_loop3A_361 : f32 to vector<16xf32>
      %parallel_loop3A_363 = arith.mulf %parallel_loop3A_360, %parallel_loop3A_362 : vector<16xf32>
      %parallel_loop3A_364 = arith.constant 1.250000e-01 : f32
      %parallel_loop3A_365 = vector.broadcast %parallel_loop3A_364 : f32 to vector<16xf32>
      %parallel_loop3A_366 = arith.mulf %parallel_loop3A_354, %parallel_loop3A_365 : vector<16xf32>
      %parallel_loop3A_367 = arith.addf %parallel_loop3A_363, %parallel_loop3A_366 : vector<16xf32>
      %parallel_loop3A_368 = arith.constant 10 : i32
      %parallel_loop3A_369 = arith.index_cast %parallel_loop3A_368 : i32 to index
      %parallel_loop3A_370 = arith.index_cast %parallel_loop3A_89 : i32 to index
      %parallel_loop3A_371 = tpu.vector_load %arg7[%parallel_loop3A_369, %parallel_loop3A_370] {strides = array<i32>} : memref<16x1024xf32, #tpu.memory_space<vmem>>, vector<16xf32>,
      tpu.vector_store %arg7[%parallel_loop3A_369, %parallel_loop3A_370], %parallel_loop3A_367 {strides = array<i32>} : memref<16x1024xf32, #tpu.memory_space<vmem>>, vector<16xf32>,
      %parallel_loop3A_372 = tpu.vector_load_idx %arg5[%broadcast_in_dim3A_64, %parallel_loop3A_101] : memref<16x2176xf32, #tpu.memory_space<vmem>>[vector<16xi32>, vector<16xi32>], vector<16xf32>,
      %parallel_loop3A_373 = tpu.vector_load_idx %arg5[%broadcast_in_dim3A_64, %parallel_loop3A_103] : memref<16x2176xf32, #tpu.memory_space<vmem>>[vector<16xi32>, vector<16xi32>], vector<16xf32>,
      %parallel_loop3A_374 = arith.addf %parallel_loop3A_372, %parallel_loop3A_373 : vector<16xf32>
      %parallel_loop3A_375 = tpu.vector_load_idx %arg5[%broadcast_in_dim3A_64, %parallel_loop3A_105] : memref<16x2176xf32, #tpu.memory_space<vmem>>[vector<16xi32>, vector<16xi32>], vector<16xf32>,
      %parallel_loop3A_376 = arith.addf %parallel_loop3A_374, %parallel_loop3A_375 : vector<16xf32>
      %parallel_loop3A_377 = tpu.vector_load_idx %arg5[%broadcast_in_dim3A_64, %parallel_loop3A_107] : memref<16x2176xf32, #tpu.memory_space<vmem>>[vector<16xi32>, vector<16xi32>], vector<16xf32>,
      %parallel_loop3A_378 = arith.addf %parallel_loop3A_376, %parallel_loop3A_377 : vector<16xf32>
      %parallel_loop3A_379 = arith.constant 1152 : i32
      %parallel_loop3A_380 = arith.addi %parallel_loop3A_379, %parallel_loop3A_89 : i32
      %parallel_loop3A_381 = arith.constant 11 : i32
      %parallel_loop3A_382 = arith.index_cast %parallel_loop3A_381 : i32 to index
      %parallel_loop3A_383 = arith.index_cast %parallel_loop3A_380 : i32 to index
      %parallel_loop3A_384 = tpu.vector_load %arg5[%parallel_loop3A_382, %parallel_loop3A_383] {strides = array<i32>} : memref<16x2176xf32, #tpu.memory_space<vmem>>, vector<16xf32>,
      %parallel_loop3A_385 = arith.constant 5.000000e-01 : f32
      %parallel_loop3A_386 = vector.broadcast %parallel_loop3A_385 : f32 to vector<16xf32>
      %parallel_loop3A_387 = arith.mulf %parallel_loop3A_384, %parallel_loop3A_386 : vector<16xf32>
      %parallel_loop3A_388 = arith.constant 1.250000e-01 : f32
      %parallel_loop3A_389 = vector.broadcast %parallel_loop3A_388 : f32 to vector<16xf32>
      %parallel_loop3A_390 = arith.mulf %parallel_loop3A_378, %parallel_loop3A_389 : vector<16xf32>
      %parallel_loop3A_391 = arith.addf %parallel_loop3A_387, %parallel_loop3A_390 : vector<16xf32>
      %parallel_loop3A_392 = arith.constant 11 : i32
      %parallel_loop3A_393 = arith.index_cast %parallel_loop3A_392 : i32 to index
      %parallel_loop3A_394 = arith.index_cast %parallel_loop3A_89 : i32 to index
      %parallel_loop3A_395 = tpu.vector_load %arg7[%parallel_loop3A_393, %parallel_loop3A_394] {strides = array<i32>} : memref<16x1024xf32, #tpu.memory_space<vmem>>, vector<16xf32>,
      tpu.vector_store %arg7[%parallel_loop3A_393, %parallel_loop3A_394], %parallel_loop3A_391 {strides = array<i32>} : memref<16x1024xf32, #tpu.memory_space<vmem>>, vector<16xf32>,
      %parallel_loop3A_396 = tpu.vector_load_idx %arg5[%broadcast_in_dim3A_66, %parallel_loop3A_101] : memref<16x2176xf32, #tpu.memory_space<vmem>>[vector<16xi32>, vector<16xi32>], vector<16xf32>,
      %parallel_loop3A_397 = tpu.vector_load_idx %arg5[%broadcast_in_dim3A_66, %parallel_loop3A_103] : memref<16x2176xf32, #tpu.memory_space<vmem>>[vector<16xi32>, vector<16xi32>], vector<16xf32>,
      %parallel_loop3A_398 = arith.addf %parallel_loop3A_396, %parallel_loop3A_397 : vector<16xf32>
      %parallel_loop3A_399 = tpu.vector_load_idx %arg5[%broadcast_in_dim3A_66, %parallel_loop3A_105] : memref<16x2176xf32, #tpu.memory_space<vmem>>[vector<16xi32>, vector<16xi32>], vector<16xf32>,
      %parallel_loop3A_400 = arith.addf %parallel_loop3A_398, %parallel_loop3A_399 : vector<16xf32>
      %parallel_loop3A_401 = tpu.vector_load_idx %arg5[%broadcast_in_dim3A_66, %parallel_loop3A_107] : memref<16x2176xf32, #tpu.memory_space<vmem>>[vector<16xi32>, vector<16xi32>], vector<16xf32>,
      %parallel_loop3A_402 = arith.addf %parallel_loop3A_400, %parallel_loop3A_401 : vector<16xf32>
      %parallel_loop3A_403 = arith.constant 1152 : i32
      %parallel_loop3A_404 = arith.addi %parallel_loop3A_403, %parallel_loop3A_89 : i32
      %parallel_loop3A_405 = arith.constant 12 : i32
      %parallel_loop3A_406 = arith.index_cast %parallel_loop3A_405 : i32 to index
      %parallel_loop3A_407 = arith.index_cast %parallel_loop3A_404 : i32 to index
      %parallel_loop3A_408 = tpu.vector_load %arg5[%parallel_loop3A_406, %parallel_loop3A_407] {strides = array<i32>} : memref<16x2176xf32, #tpu.memory_space<vmem>>, vector<16xf32>,
      %parallel_loop3A_409 = arith.constant 5.000000e-01 : f32
      %parallel_loop3A_410 = vector.broadcast %parallel_loop3A_409 : f32 to vector<16xf32>
      %parallel_loop3A_411 = arith.mulf %parallel_loop3A_408, %parallel_loop3A_410 : vector<16xf32>
      %parallel_loop3A_412 = arith.constant 1.250000e-01 : f32
      %parallel_loop3A_413 = vector.broadcast %parallel_loop3A_412 : f32 to vector<16xf32>
      %parallel_loop3A_414 = arith.mulf %parallel_loop3A_402, %parallel_loop3A_413 : vector<16xf32>
      %parallel_loop3A_415 = arith.addf %parallel_loop3A_411, %parallel_loop3A_414 : vector<16xf32>
      %parallel_loop3A_416 = arith.constant 12 : i32
      %parallel_loop3A_417 = arith.index_cast %parallel_loop3A_416 : i32 to index
      %parallel_loop3A_418 = arith.index_cast %parallel_loop3A_89 : i32 to index
      %parallel_loop3A_419 = tpu.vector_load %arg7[%parallel_loop3A_417, %parallel_loop3A_418] {strides = array<i32>} : memref<16x1024xf32, #tpu.memory_space<vmem>>, vector<16xf32>,
      tpu.vector_store %arg7[%parallel_loop3A_417, %parallel_loop3A_418], %parallel_loop3A_415 {strides = array<i32>} : memref<16x1024xf32, #tpu.memory_space<vmem>>, vector<16xf32>,
      %parallel_loop3A_420 = tpu.vector_load_idx %arg5[%broadcast_in_dim3A_68, %parallel_loop3A_101] : memref<16x2176xf32, #tpu.memory_space<vmem>>[vector<16xi32>, vector<16xi32>], vector<16xf32>,
      %parallel_loop3A_421 = tpu.vector_load_idx %arg5[%broadcast_in_dim3A_68, %parallel_loop3A_103] : memref<16x2176xf32, #tpu.memory_space<vmem>>[vector<16xi32>, vector<16xi32>], vector<16xf32>,
      %parallel_loop3A_422 = arith.addf %parallel_loop3A_420, %parallel_loop3A_421 : vector<16xf32>
      %parallel_loop3A_423 = tpu.vector_load_idx %arg5[%broadcast_in_dim3A_68, %parallel_loop3A_105] : memref<16x2176xf32, #tpu.memory_space<vmem>>[vector<16xi32>, vector<16xi32>], vector<16xf32>,
      %parallel_loop3A_424 = arith.addf %parallel_loop3A_422, %parallel_loop3A_423 : vector<16xf32>
      %parallel_loop3A_425 = tpu.vector_load_idx %arg5[%broadcast_in_dim3A_68, %parallel_loop3A_107] : memref<16x2176xf32, #tpu.memory_space<vmem>>[vector<16xi32>, vector<16xi32>], vector<16xf32>,
      %parallel_loop3A_426 = arith.addf %parallel_loop3A_424, %parallel_loop3A_425 : vector<16xf32>
      %parallel_loop3A_427 = arith.constant 1152 : i32
      %parallel_loop3A_428 = arith.addi %parallel_loop3A_427, %parallel_loop3A_89 : i32
      %parallel_loop3A_429 = arith.constant 13 : i32
      %parallel_loop3A_430 = arith.index_cast %parallel_loop3A_429 : i32 to index
      %parallel_loop3A_431 = arith.index_cast %parallel_loop3A_428 : i32 to index
      %parallel_loop3A_432 = tpu.vector_load %arg5[%parallel_loop3A_430, %parallel_loop3A_431] {strides = array<i32>} : memref<16x2176xf32, #tpu.memory_space<vmem>>, vector<16xf32>,
      %parallel_loop3A_433 = arith.constant 5.000000e-01 : f32
      %parallel_loop3A_434 = vector.broadcast %parallel_loop3A_433 : f32 to vector<16xf32>
      %parallel_loop3A_435 = arith.mulf %parallel_loop3A_432, %parallel_loop3A_434 : vector<16xf32>
      %parallel_loop3A_436 = arith.constant 1.250000e-01 : f32
      %parallel_loop3A_437 = vector.broadcast %parallel_loop3A_436 : f32 to vector<16xf32>
      %parallel_loop3A_438 = arith.mulf %parallel_loop3A_426, %parallel_loop3A_437 : vector<16xf32>
      %parallel_loop3A_439 = arith.addf %parallel_loop3A_435, %parallel_loop3A_438 : vector<16xf32>
      %parallel_loop3A_440 = arith.constant 13 : i32
      %parallel_loop3A_441 = arith.index_cast %parallel_loop3A_440 : i32 to index
      %parallel_loop3A_442 = arith.index_cast %parallel_loop3A_89 : i32 to index
      %parallel_loop3A_443 = tpu.vector_load %arg7[%parallel_loop3A_441, %parallel_loop3A_442] {strides = array<i32>} : memref<16x1024xf32, #tpu.memory_space<vmem>>, vector<16xf32>,
      tpu.vector_store %arg7[%parallel_loop3A_441, %parallel_loop3A_442], %parallel_loop3A_439 {strides = array<i32>} : memref<16x1024xf32, #tpu.memory_space<vmem>>, vector<16xf32>,
      %parallel_loop3A_444 = tpu.vector_load_idx %arg5[%broadcast_in_dim3A_70, %parallel_loop3A_101] : memref<16x2176xf32, #tpu.memory_space<vmem>>[vector<16xi32>, vector<16xi32>], vector<16xf32>,
      %parallel_loop3A_445 = tpu.vector_load_idx %arg5[%broadcast_in_dim3A_70, %parallel_loop3A_103] : memref<16x2176xf32, #tpu.memory_space<vmem>>[vector<16xi32>, vector<16xi32>], vector<16xf32>,
      %parallel_loop3A_446 = arith.addf %parallel_loop3A_444, %parallel_loop3A_445 : vector<16xf32>
      %parallel_loop3A_447 = tpu.vector_load_idx %arg5[%broadcast_in_dim3A_70, %parallel_loop3A_105] : memref<16x2176xf32, #tpu.memory_space<vmem>>[vector<16xi32>, vector<16xi32>], vector<16xf32>,
      %parallel_loop3A_448 = arith.addf %parallel_loop3A_446, %parallel_loop3A_447 : vector<16xf32>
      %parallel_loop3A_449 = tpu.vector_load_idx %arg5[%broadcast_in_dim3A_70, %parallel_loop3A_107] : memref<16x2176xf32, #tpu.memory_space<vmem>>[vector<16xi32>, vector<16xi32>], vector<16xf32>,
      %parallel_loop3A_450 = arith.addf %parallel_loop3A_448, %parallel_loop3A_449 : vector<16xf32>
      %parallel_loop3A_451 = arith.constant 1152 : i32
      %parallel_loop3A_452 = arith.addi %parallel_loop3A_451, %parallel_loop3A_89 : i32
      %parallel_loop3A_453 = arith.constant 14 : i32
      %parallel_loop3A_454 = arith.index_cast %parallel_loop3A_453 : i32 to index
      %parallel_loop3A_455 = arith.index_cast %parallel_loop3A_452 : i32 to index
      %parallel_loop3A_456 = tpu.vector_load %arg5[%parallel_loop3A_454, %parallel_loop3A_455] {strides = array<i32>} : memref<16x2176xf32, #tpu.memory_space<vmem>>, vector<16xf32>,
      %parallel_loop3A_457 = arith.constant 5.000000e-01 : f32
      %parallel_loop3A_458 = vector.broadcast %parallel_loop3A_457 : f32 to vector<16xf32>
      %parallel_loop3A_459 = arith.mulf %parallel_loop3A_456, %parallel_loop3A_458 : vector<16xf32>
      %parallel_loop3A_460 = arith.constant 1.250000e-01 : f32
      %parallel_loop3A_461 = vector.broadcast %parallel_loop3A_460 : f32 to vector<16xf32>
      %parallel_loop3A_462 = arith.mulf %parallel_loop3A_450, %parallel_loop3A_461 : vector<16xf32>
      %parallel_loop3A_463 = arith.addf %parallel_loop3A_459, %parallel_loop3A_462 : vector<16xf32>
      %parallel_loop3A_464 = arith.constant 14 : i32
      %parallel_loop3A_465 = arith.index_cast %parallel_loop3A_464 : i32 to index
      %parallel_loop3A_466 = arith.index_cast %parallel_loop3A_89 : i32 to index
      %parallel_loop3A_467 = tpu.vector_load %arg7[%parallel_loop3A_465, %parallel_loop3A_466] {strides = array<i32>} : memref<16x1024xf32, #tpu.memory_space<vmem>>, vector<16xf32>,
      tpu.vector_store %arg7[%parallel_loop3A_465, %parallel_loop3A_466], %parallel_loop3A_463 {strides = array<i32>} : memref<16x1024xf32, #tpu.memory_space<vmem>>, vector<16xf32>,
      %parallel_loop3A_468 = tpu.vector_load_idx %arg5[%broadcast_in_dim3A_72, %parallel_loop3A_101] : memref<16x2176xf32, #tpu.memory_space<vmem>>[vector<16xi32>, vector<16xi32>], vector<16xf32>,
      %parallel_loop3A_469 = tpu.vector_load_idx %arg5[%broadcast_in_dim3A_72, %parallel_loop3A_103] : memref<16x2176xf32, #tpu.memory_space<vmem>>[vector<16xi32>, vector<16xi32>], vector<16xf32>,
      %parallel_loop3A_470 = arith.addf %parallel_loop3A_468, %parallel_loop3A_469 : vector<16xf32>
      %parallel_loop3A_471 = tpu.vector_load_idx %arg5[%broadcast_in_dim3A_72, %parallel_loop3A_105] : memref<16x2176xf32, #tpu.memory_space<vmem>>[vector<16xi32>, vector<16xi32>], vector<16xf32>,
      %parallel_loop3A_472 = arith.addf %parallel_loop3A_470, %parallel_loop3A_471 : vector<16xf32>
      %parallel_loop3A_473 = tpu.vector_load_idx %arg5[%broadcast_in_dim3A_72, %parallel_loop3A_107] : memref<16x2176xf32, #tpu.memory_space<vmem>>[vector<16xi32>, vector<16xi32>], vector<16xf32>,
      %parallel_loop3A_474 = arith.addf %parallel_loop3A_472, %parallel_loop3A_473 : vector<16xf32>
      %parallel_loop3A_475 = arith.constant 1152 : i32
      %parallel_loop3A_476 = arith.addi %parallel_loop3A_475, %parallel_loop3A_89 : i32
      %parallel_loop3A_477 = arith.constant 15 : i32
      %parallel_loop3A_478 = arith.index_cast %parallel_loop3A_477 : i32 to index
      %parallel_loop3A_479 = arith.index_cast %parallel_loop3A_476 : i32 to index
      %parallel_loop3A_480 = tpu.vector_load %arg5[%parallel_loop3A_478, %parallel_loop3A_479] {strides = array<i32>} : memref<16x2176xf32, #tpu.memory_space<vmem>>, vector<16xf32>,
      %parallel_loop3A_481 = arith.constant 5.000000e-01 : f32
      %parallel_loop3A_482 = vector.broadcast %parallel_loop3A_481 : f32 to vector<16xf32>
      %parallel_loop3A_483 = arith.mulf %parallel_loop3A_480, %parallel_loop3A_482 : vector<16xf32>
      %parallel_loop3A_484 = arith.constant 1.250000e-01 : f32
      %parallel_loop3A_485 = vector.broadcast %parallel_loop3A_484 : f32 to vector<16xf32>
      %parallel_loop3A_486 = arith.mulf %parallel_loop3A_474, %parallel_loop3A_485 : vector<16xf32>
      %parallel_loop3A_487 = arith.addf %parallel_loop3A_483, %parallel_loop3A_486 : vector<16xf32>
      %parallel_loop3A_488 = arith.constant 15 : i32
      %parallel_loop3A_489 = arith.index_cast %parallel_loop3A_488 : i32 to index
      %parallel_loop3A_490 = arith.index_cast %parallel_loop3A_89 : i32 to index
      %parallel_loop3A_491 = tpu.vector_load %arg7[%parallel_loop3A_489, %parallel_loop3A_490] {strides = array<i32>} : memref<16x1024xf32, #tpu.memory_space<vmem>>, vector<16xf32>,
      tpu.vector_store %arg7[%parallel_loop3A_489, %parallel_loop3A_490], %parallel_loop3A_487 {strides = array<i32>} : memref<16x1024xf32, #tpu.memory_space<vmem>>, vector<16xf32>,
    } {sc.loop_unroll_factor = 1 : i64, sc.parallel_access}
    %dma_start3A_79 = arith.constant 0 : i32
    %dma_start3A_80 = tpu.memref_slice %arg4[%dma_start3A_79, %mul3A_2] : memref<16x32768xf32, #tpu.memory_space<hbm>> -> memref<16x1024xf32, #tpu.memory_space<hbm>>
    %dma_start3A_81 = arith.constant 0 : i32
    %dma_start3A_82 = tpu.memref_slice %arg4[%dma_start3A_81, %mul3A_2] : memref<16x32768xf32, #tpu.memory_space<hbm>> -> memref<16x1024xf32, #tpu.memory_space<hbm>>
    tpu.enqueue_dma source(%arg7 : memref<16x1024xf32, #tpu.memory_space<vmem>>) target(%dma_start3A_82 : memref<16x1024xf32, #tpu.memory_space<hbm>>) target_semaphore(%arg8 : memref<!tpu.dma_semaphore, #tpu.memory_space<semaphore_mem>>)
    %dma_wait3A_83 = arith.constant 0 : i32
    %dma_wait3A_84 = tpu.memref_slice %arg4[%dma_wait3A_83, %mul3A_2] : memref<16x32768xf32, #tpu.memory_space<hbm>> -> memref<16x1024xf32, #tpu.memory_space<hbm>>
    %dma_wait3A_85 = arith.constant 0 : i32
    %dma_wait3A_86 = tpu.memref_slice %arg4[%dma_wait3A_85, %mul3A_2] : memref<16x32768xf32, #tpu.memory_space<hbm>> -> memref<16x1024xf32, #tpu.memory_space<hbm>>
    tpu.wait_dma2 semaphore(%arg8 : memref<!tpu.dma_semaphore, #tpu.memory_space<semaphore_mem>>) src(%arg7 : memref<16x1024xf32, #tpu.memory_space<vmem>>) dst(%dma_wait3A_86 : memref<16x1024xf32, #tpu.memory_space<hbm>>)
    return
  }
}

</mosaic_0001>

<sc_bundles>
// kernel: kernel.3.cloned.1.call-start
scs
__scs_entry_jumppad:
0x0: {  	(pc) =	sbr.rel $0x88, $3  }
0x1: {  	(tag) =	ssettag $0x0;
	lr =	simm.s32 $0x1  }
0x2: {  	[smem:$0x3FA0] =	sst lr;
	_ =	strace $0xD0000000  }
0x3: {  	_ = 	snop  }
0x4: {  	_ = 	snop  }
0x5: {  	_ = 	snop  }
0x6: {  	_ = 	snop  }
0x7: {  	_ = 	snop  }
__scs_overlays_trampoline_lowered:
0x8: {  	[smem:$0x3FAF] =	sst s0  }
0x9: {  	[smem:$0x3FB0] =	sst s1  }
0xa: {  	[smem:$0x3FB1] =	sst s2  }
0xb: {  	[smem:$0x3FB2] =	sst s3  }
0xc: {  	[smem:$0x3FB3] =	sst s4  }
0xd: {  	[smem:$0x3FB4] =	sst s5  }
0xe: {  	[smem:$0x3FB5] =	sst s6  }
0xf: {  	[smem:$0x3FB6] =	sst s7  }
0x10: {  	[smem:$0x3FB7] =	sst s8  }
0x11: {  	[smem:$0x3FB8] =	sst s9;
	s0 =	simm.s32 @!p0 $0x0  }
0x12: {  	s1 =	sld [smem:$0x3F9E];
	s0 =	simm.s32 @p0 $0x1  }
0x13: {  	[smem:$0x3FB9] =	sst s0;
	s0 =	simm.s32 @!p1 $0x0  }
0x14: {  	s2 =	sld [smem:$0x3F9D];
	s0 =	simm.s32 @p1 $0x1  }
0x15: {  	[smem:$0x3FBA] =	sst s0;
	s0 =	simm.s32 @!p2 $0x0  }
0x16: {  	s3 =	sld [smem:$0x3FDB];
	s0 =	simm.s32 @p2 $0x1  }
0x17: {  	s4 =	simm.s32 $0x1BF5;
	[smem:$0x3FBC] =	sst s0  }
0x18: {  	s0 =	sld [smem:$0x3F9F];
	_ =	swait.ge [sflag:s4], $0x0  }
0x19: {  	s7 =	sld [smem:$0x3FA0]  }
0x1a: {  	s8 =	sadd.s32 $0xFFFFE003, lr  }
0x1b: {  	s9 =	sadd.s32 $0xFFFFFEF7, lr;
	s5 =	simm.s32 $0xFFFFFFFF;
	p2 =	slt.u32 s8, $0xFFFFF086  }
0x1c: {  	p1 =	slt.u32 s9, $0xF7A;
	s5 =	simm.s32 @!p2 $0x0  }
0x1d: {  	s5 =	simm.s32 @p1 $0x1;
	p0 =	seq.s32 s7, s2  }
0x1e: {  	s7 =	smul.u32 @!p0 $0xF7A, s2;
	p2 =	seq.s32 @!p0 s5, $0x0  }
0x1f: {  	s9 =	smul.u32 $0xF7A, s1;
	s8 =	simm.s32 @!p0 $0x1BF5;
	p2 =	por !p2, p0  }
0x20: {  	[sflag:s8] =	ssyncset.s32 @!p0 $0xFFFFF086;
	s6 =	sadd.s32 @!p0 s3, s7;
	s7 =	simm.s32 @!p0 $0x108  }
0x21: {  	s3 =	sadd.s32 s3, s9;
	s6 =	sadd.s32 @!p0 $0x88, s6;
	s7 =	simm.s32 @p2 $0x1082  }
0x22: {  	[simem:s7], [sflag:s8] =	dma.local @!p0 [hbm:s6], $0xF7A  }
0x23: {  	s9 =	sor.u32 $0xD0000000, s2;
	s6 =	simm.s32 $0x108;
	_ =	swait.ge @!p0 [sflag:s8], $0x0  }
0x24: {  	s3 =	sadd.s32 $0x88, s3;
	s6 =	simm.s32 @!p1 $0x1082;
	[sflag:s4] =	ssyncset.s32 $0xFFFFF086  }
0x25: {  	[simem:s6], [sflag:s4] =	dma.local [hbm:s3], $0xF7A  }
0x26: {  	[smem:$0x3FA0] =	sst s1;
	(tag) =	ssettag s2;
	_ =	strace s9  }
0x27: {  	s1 =	sld [smem:$0x3FB0]  }
0x28: {  	s2 =	sld [smem:$0x3FB1]  }
0x29: {  	s4 =	sld [smem:$0x3FB3]  }
0x2a: {  	p0 =	seq.s32 s5, $0x0;
	s5 =	sld [smem:$0x3FB4]  }
0x2b: {  	s6 =	sld [smem:$0x3FB5]  }
0x2c: {  	s7 =	sld [smem:$0x3FB6]  }
0x2d: {  	s3 =	simm.s32 $0x108;
	s8 =	sld [smem:$0x3FB7]  }
0x2e: {  	s3 =	simm.s32 @!p0 $0x1082;
	s9 =	sld [smem:$0x3FB8]  }
0x2f: {  	lr =	sadd.s32 s0, s3;
	s0 =	sld [smem:$0x3FAF]  }
0x30: {  	s3 =	sld [smem:$0x3FB2]  }
0x31: {  	[smem:$0x3FBB] =	sst s10  }
0x32: {  	s10 =	sld [smem:$0x3FB9];
	_ =	sdelay $0x3  }
0x33: {  	p0 =	seq.s32 s10, $0x1;
	s10 =	sld [smem:$0x3FBB];
	_ =	sdelay $0x3  }
0x34: {  	[smem:$0x3FBB] =	sst s10  }
0x35: {  	s10 =	sld [smem:$0x3FBA];
	_ =	sdelay $0x3  }
0x36: {  	p1 =	seq.s32 s10, $0x1;
	s10 =	sld [smem:$0x3FBB];
	_ =	sdelay $0x3  }
0x37: {  	[smem:$0x3FBB] =	sst s10  }
0x38: {  	s10 =	sld [smem:$0x3FBC]  }
0x39: {  	_ = 	snop;
	(pc) =	sbr.ind lr, $3  }
0x3a: {  	_ = 	snop  }
0x3b: {  	_ = 	snop  }
0x3c: {  	p2 =	seq.s32 s10, $0x1;
	s10 =	sld [smem:$0x3FBB]  }
0x3d: {  	_ =	shalt  }
0x3e: {  	_ =	shalt  }
0x3f: {  	_ =	shalt  }
0x40: {  	_ =	shalt  }
0x41: {  	_ =	shalt  }
0x42: {  	_ =	shalt  }
0x43: {  	_ =	shalt  }
0x44: {  	_ =	shalt  }
0x45: {  	_ =	shalt  }
0x46: {  	_ =	shalt  }
0x47: {  	_ =	shalt  }
0x48: {  	_ =	shalt  }
0x49: {  	_ =	shalt  }
0x4a: {  	_ =	shalt  }
0x4b: {  	_ =	shalt  }
0x4c: {  	_ =	shalt  }
0x4d: {  	_ =	shalt  }
0x4e: {  	_ =	shalt  }
0x4f: {  	_ =	shalt  }
0x50: {  	_ =	shalt  }
0x51: {  	_ =	shalt  }
0x52: {  	_ =	shalt  }
0x53: {  	_ =	shalt  }
0x54: {  	_ =	shalt  }
0x55: {  	_ =	shalt  }
0x56: {  	_ =	shalt  }
0x57: {  	_ =	shalt  }
0x58: {  	_ =	shalt  }
0x59: {  	_ =	shalt  }
0x5a: {  	_ =	shalt  }
0x5b: {  	_ =	shalt  }
0x5c: {  	_ =	shalt  }
0x5d: {  	_ =	shalt  }
0x5e: {  	_ =	shalt  }
0x5f: {  	_ =	shalt  }
0x60: {  	_ =	shalt  }
0x61: {  	_ =	shalt  }
0x62: {  	_ =	shalt  }
0x63: {  	_ =	shalt  }
0x64: {  	_ =	shalt  }
0x65: {  	_ =	shalt  }
0x66: {  	_ =	shalt  }
0x67: {  	_ =	shalt  }
0x68: {  	_ =	shalt  }
0x69: {  	_ =	shalt  }
0x6a: {  	_ =	shalt  }
0x6b: {  	_ =	shalt  }
0x6c: {  	_ =	shalt  }
0x6d: {  	_ =	shalt  }
0x6e: {  	_ =	shalt  }
0x6f: {  	_ =	shalt  }
0x70: {  	_ =	shalt  }
0x71: {  	_ =	shalt  }
0x72: {  	_ =	shalt  }
0x73: {  	_ =	shalt  }
0x74: {  	_ =	shalt  }
0x75: {  	_ =	shalt  }
0x76: {  	_ =	shalt  }
0x77: {  	_ =	shalt  }
0x78: {  	_ =	shalt  }
0x79: {  	_ =	shalt  }
0x7a: {  	_ =	shalt  }
0x7b: {  	_ =	shalt  }
0x7c: {  	_ =	shalt  }
0x7d: {  	_ =	shalt  }
0x7e: {  	_ =	shalt  }
0x7f: {  	_ =	shalt  }
0x80: {  	_ =	shalt  }
0x81: {  	_ =	shalt  }
0x82: {  	_ =	shalt  }
0x83: {  	_ =	shalt  }
0x84: {  	_ =	shalt  }
0x85: {  	_ =	shalt  }
0x86: {  	_ =	shalt  }
0x87: {  	_ =	shalt  }
.Lfunc_end0:
.L_simem_size_0:
called_computation_lowered:
.L_overlay_start_0:
0x88: {  	s2 =	sld [smem:$0x3FD9]  }
0x89: {  	s3 =	sld [smem:$0x3FFE];
	_ =	sdelay $0x1  }
0x8a: {  	s1 =	srdreg.scid  }
0x8b: {  	s0 =	sand.u32 $0x1, s1  }
0x8c: {  	s17 =	sshll.u32 s0, $0xA;
	s2 =	sadd.s32 s3, s2  }
0x8d: {  	s2 =	sadd.s32 s2, s17  }
0x8e: {  	[smem:$0x3FC7] =	sst s2  }
0x8f: {  	_ = 	snop  }
0x90: {  	s2 =	sld [smem:$0x3FC9]  }
0x91: {  	s18 =	sld [smem:$0x3FD0];
	(tm) =	ssettm $0x1  }
0x92: {  	s4 =	sld [smem:$0x3FFB];
	_ =	sdelay $0x3  }
0x93: {  	_ =	strace s4  }
0x94: {  	s4 =	sld [smem:$0x3FFC];
	_ =	sdelay $0x3  }
0x95: {  	_ =	strace s4  }
0x96: {  	s4 =	sld [smem:$0x3FFD];
	_ =	sdelay $0x3  }
0x97: {  	_ =	strace s4  }
0x98: {  	_ =	strace $0x8FFFFFFF  }
0x99: {  	s19 =	sld [smem:$0x3FDB];
	_ =	sdelay $0x1  }
0x9a: {  	s5 =	simm.s32 $_scs_section_size  }
0x9b: {  	s6 =	simm.s32 $_size__tile_overlayer_lowered;
	s7 =	simm.s32 $_tile_overlayer_lowered  }
0x9c: {  	s22 =	simm.s32 $0x1BFF;
	s21 =	sshll.u32 s7, $0x1;
	s4 =	sadd.s32 s5, s19  }
0x9d: {  	s8 =	simm.s32 $0x0;
	s20 =	sshll.u32 s6, $0x1;
	s6 =	sadd.s32 s21, s4  }
0x9e: {  	[timem:s8], [sflag:s22] =	dma.local [hbm:s6], s20  }
0x9f: {  	_ =	swait.ge [sflag:s22], s20  }
0xa0: {  	s5 =	ssub.s32 $0x0, s20;
	[sflag:s22] =	ssyncset.done $0x0  }
0xa1: {  	[sflag:s22] =	ssyncadd.s32 s5;
	_ =	sdelay $0x1  }
0xa2: {  	s23 =	simm.s32 $0x1B8B  }
0xa3: {  	_ =	swait.ge [sflag:s23], $0x1  }
0xa4: {  	[sflag:s23] =	ssyncset.done $0x0  }
0xa5: {  	s25 =	simm.s32 $0x1B8E;
	s24 =	sld [smem:$0x3FFE];
	[sflag:s23] =	ssyncadd.s32 $0xFFFFFFFF  }
0xa6: {  	s26 =	simm.s32 $execute0_lowered;
	[smem:$0x3FD2] =	sst s25  }
0xa7: {  	s6 =	sshll.u32 s26, $0x1;
	_ =	strace $0x80000046;
	[dreg:$0x1] =	wrdreg $0xFFFFFFFF  }
0xa8: {  	s28 =	simm.s32 $_size_execute0_lowered;
	s4 =	sadd.s32 s4, s6;
	[dreg:$0x0] =	wrdreg $0x0  }
0xa9: {  	s6 =	sshll.u32 s28, $0x1;
	[dreg:$0x2] =	wrdreg s4  }
0xaa: {  	[dreg:$0x3] =	wrdreg s6  }
0xab: {  	[dreg:$0x4] =	wrdreg $0xC0  }
0xac: {  	_ =	task [dreg:s8], $0x5FFFF  }
0xad: {  	[dreg:$0x1] =	wrdreg $0xFFFFFFFF  }
0xae: {  	[dreg:$0x0] =	wrdreg $0x60  }
0xaf: {  	[dreg:$0x2] =	wrdreg s2  }
0xb0: {  	[dreg:$0x3] =	wrdreg s24  }
0xb1: {  	[dreg:$0x4] =	wrdreg s18  }
0xb2: {  	[dreg:$0x5] =	wrdreg $0x9  }
0xb3: {  	_ =	task.clear_ibuf [dreg:s8], $0x6FFFF;
	_ =	strace $0x90000046  }
0xb4: {  	s29 =	simm.s32 $0x9;
	_ =	strace $0x80000048  }
0xb5: {  	_ =	swait.ge [sflag:s29], $0x1  }
0xb6: {  	[sflag:s29] =	ssyncadd.s32 $0xFFFFFFFF  }
0xb7: {  	_ =	strace $0x90000048  }
0xb8: {  	_ =	sfence  }
0xb9: {  	s30 =	sld [smem:$0x0];
	_ =	sdelay $0x2  }
0xba: {  	s31 =	sshll.u32 s1, $0xD;
	s1 =	sshrl.u32 s1, $0x2  }
0xbb: {  	s3 =	sand.u32 $0x4000, s31;
	s1 =	sadd.s32 s1, s30  }
0xbc: {  	s0 =	sor.u32 s3, s0;
	s1 =	sshll.u32 s1, $0x11  }
0xbd: {  	s0 =	sor.u32 s1, s0  }
0xbe: {  	s0 =	sadd.s32 $0x8F2B, s0  }
0xbf: {  	[sflag:s0] =	ssyncadd.remote.s32 $0x1  }
0xc0: {  	_ =	sfence.sel $0xFFFF  }
0xc1: {  	[dreg:$0x0] =	wrdreg $0xFFFFFFFF;
	(pc) =	sbr.abs _section_cstart, $3  }
0xc2: {  	[dreg:$0x1] =	wrdreg $0xFFFFFFFF  }
0xc3: {  	_ =	task.clear_ibuf [dreg:s8], $0x2FFFF;
	_ =	strace $0x9FFFFFFF  }
0xc4: {  	(tm) =	ssettm $0x7FFFFFFF  }
0xc5: {  	_ =	shalt  }
tec
execute0_lowered:
.L_overlay_start_1:
0x0: {  	(tag) =	ssettag $0x1  }
0x1: {  	s1 =	rddreg [dreg:$0x0]  }
0x2: {  	s0 =	rddreg [dreg:$0x1]  }
0x3: {  	s2 =	rddreg [dreg:$0x2]  }
0x4: {  	s4 =	srdreg.scid;
	s11 =	stileid.u32  }
0x5: {  	s3 =	simm.s32 $0x0;
	s12 =	simm.s32 $0x1;
	s14 =	simm.s32 $0x40000  }
0x6: {  	s15 =	simm.s32 $0x9000;
	s16 =	simm.s32 $0x0;
	s4 =	sand.u32 $0x1, s4  }
0x7: {  	s5 =	sshll.u32 s11, $0x1;
	[smem:$0x7FF] =	sst s3;
	s9 =	sadd.s32 $0x8000, s1  }
0x8: {  	p2 =	seq.s32 s11, $0x0;
	s10 =	sor.u32 s4, s5;
	s4 =	ssub.s32 $0x2, s4  }
0x9: {  	_ =	strace $0x80000047;
	s5 =	sshll.u32 s10, $0x7;
	s30 =	sshrl.u32 s4, $0x1  }
0xa: {  	s6 =	sshll.u32 s10, $0xD;
	s7 =	sshll.u32 s10, $0xA;
	p0 =	seq.s32 s10, $0x1  }
0xb: {  	s0 =	sadd.s32 s5, s0;
	s8 =	ssub.s32 s4, s30;
	s6 =	sadd.s32 $0xFFFFDC00, s6  }
0xc: {  	s7 =	sadd.s32 s2, s7;
	p1 =	sne.s32 @!p0 s10, $0x0;
	s10 =	simm.s32 $0x8800  }
0xd: {  	s4 =	sadd.s32 $0x400, s0;
	s5 =	sadd.s32 $0x1400, s0;
	s31 =	sshrl.u32 s6, $0x3  }
0xe: {  	v0 =	vlaneseq.u32;
	s8 =	smax.u32 s8, $0x1;
	p1 =	por p1, p0;
	s6 =	sadd.s32 s1, s31  }
.LBB2_1:
0xf: {  	[tilespmem:s10], [sflag:$0x1] =	stream.linear.gather [hbm4b:s4+s3], $0x400, $0x38;
	[tilespmem:$0xD000] =	vst v63  }
0x10: {  	s0 =	simm.s32 $0x8C00  }
0x11: {  	v1 =	vimm.f32 @p0 $0.0e+00;
	[tilespmem:s0], [sflag:$0x1] =	stream.linear.gather [hbm4b:s5+s3], $0x400, $0x38;
	[tilespmem:$0xD000] =	vst v63  }
0x12: {  	[tilespmem:$0x0] =	vst @p0 v1  }
0x13: {  	[tilespmem:$0x80] =	vst @p0 v1  }
0x14: {  	[tilespmem:$0x100] =	vst @p0 v1  }
0x15: {  	[tilespmem:$0x180] =	vst @p0 v1  }
0x16: {  	[tilespmem:$0x200] =	vst @p0 v1  }
0x17: {  	[tilespmem:$0x280] =	vst @p0 v1  }
0x18: {  	[tilespmem:$0x300] =	vst @p0 v1  }
0x19: {  	[tilespmem:$0x380] =	vst @p0 v1  }
0x1a: {  	[tilespmem:$0x4400] =	vst @p0 v1  }
0x1b: {  	[tilespmem:$0x4480] =	vst @p0 v1  }
0x1c: {  	[tilespmem:$0x4500] =	vst @p0 v1  }
0x1d: {  	[tilespmem:$0x4580] =	vst @p0 v1  }
0x1e: {  	[tilespmem:$0x4600] =	vst @p0 v1  }
0x1f: {  	[tilespmem:$0x4680] =	vst @p0 v1  }
0x20: {  	[tilespmem:$0x4700] =	vst @p0 v1  }
0x21: {  	s2 =	simm.s32 @p0 $0x400;
	s0 =	simm.s32 @p0 $0x0;
	[tilespmem:$0x4780] =	vst @p0 v1  }
0x22: {  	[tilespmem:s2], [sflag:$0x1] =	stream.linear.gather @p0 [hbm4b:s1+s0], $0x4000, $0x38;
	[tilespmem:$0xD000] =	vst v63  }
0x23: {  	s2 =	simm.s32 @p0 $0x4800  }
0x24: {  	[tilespmem:s2], [sflag:$0x1] =	stream.linear.gather @p0 [hbm4b:s9+s0], $0x4000, $0x38;
	[tilespmem:$0xD000] =	vst v63  }
0x25: {  	s0 =	simm.s32 @p0 $0x1  }
0x26: {  	_ =	swait.ge @p0 [sflag:s0], $0x8000  }
0x27: {  	[sflag:s0] =	ssyncset.done @p0 $0x0  }
0x28: {  	v1 =	vimm.f32 @!p1 $0.0e+00;
	[sflag:s0] =	ssyncadd.s32 @p0 $0xFFFF8000  }
0x29: {  	[tilespmem:$0x0] =	vst @!p1 v1  }
0x2a: {  	[tilespmem:$0x80] =	vst @!p1 v1  }
0x2b: {  	[tilespmem:$0x100] =	vst @!p1 v1  }
0x2c: {  	[tilespmem:$0x180] =	vst @!p1 v1  }
0x2d: {  	[tilespmem:$0x200] =	vst @!p1 v1  }
0x2e: {  	[tilespmem:$0x280] =	vst @!p1 v1  }
0x2f: {  	[tilespmem:$0x300] =	vst @!p1 v1  }
0x30: {  	[tilespmem:$0x380] =	vst @!p1 v1  }
0x31: {  	[tilespmem:$0x4400] =	vst @!p1 v1  }
0x32: {  	[tilespmem:$0x4480] =	vst @!p1 v1  }
0x33: {  	[tilespmem:$0x4500] =	vst @!p1 v1  }
0x34: {  	[tilespmem:$0x4580] =	vst @!p1 v1  }
0x35: {  	[tilespmem:$0x4600] =	vst @!p1 v1  }
0x36: {  	[tilespmem:$0x4680] =	vst @!p1 v1  }
0x37: {  	[tilespmem:$0x4700] =	vst @!p1 v1  }
0x38: {  	s2 =	simm.s32 @!p1 $0x2400;
	s0 =	simm.s32 @!p1 $0x0;
	[tilespmem:$0x4780] =	vst @!p1 v1  }
0x39: {  	[tilespmem:s2], [sflag:$0x1] =	stream.linear.gather @!p1 [hbm4b:s1+s0], $0x2000, $0x38;
	[tilespmem:$0xD000] =	vst v63  }
0x3a: {  	s2 =	simm.s32 @!p1 $0x6800  }
0x3b: {  	[tilespmem:s2], [sflag:$0x1] =	stream.linear.gather @!p1 [hbm4b:s9+s0], $0x2000, $0x38;
	[tilespmem:$0xD000] =	vst v63  }
0x3c: {  	s0 =	simm.s32 @!p1 $0x1  }
0x3d: {  	_ =	swait.ge @!p1 [sflag:s0], $0x4000  }
0x3e: {  	s11 =	simm.s32 @!p2 $0x0;
	[sflag:s0] =	ssyncset.done @!p1 $0x0  }
0x3f: {  	s2 =	simm.s32 @!p2 $0x40000;
	[sflag:s0] =	ssyncadd.s32 @!p1 $0xFFFFC000;
	s0 =	simm.s32 @!p2 $0x4400  }
0x40: {  	[tilespmem:s11], [sflag:$0x1] =	stream.strided.gather @!p2 [hbm4b:s6+s0], $0x8800, s2, s0, $0x38;
	[tilespmem:$0xD000] =	vst v63  }
0x41: {  	s0 =	simm.s32 @!p2 $0x1  }
0x42: {  	_ =	swait.ge @!p2 [sflag:s0], $0x8800  }
0x43: {  	[sflag:s0] =	ssyncset.done @!p2 $0x0  }
0x44: {  	[sflag:s0] =	ssyncadd.s32 @!p2 $0xFFFF7800  }
0x45: {  	_ =	swait.ge [sflag:s12], $0x400  }
0x46: {  	[sflag:s12] =	ssyncset.done $0x0  }
0x47: {  	[sflag:s12] =	ssyncadd.s32 $0xFFFFFC00  }
0x48: {  	_ =	swait.ge [sflag:s12], $0x400  }
0x49: {  	[sflag:s12] =	ssyncset.done $0x0  }
0x4a: {  	[sflag:s12] =	ssyncadd.s32 $0xFFFFFC00  }
0x4b: {  	s17 =	sand.u32 $0x3F0, s3;
	v1 =	vld [tilespmem:s10+$0x0]  }
0x4c: {  	v2 =	vld [tilespmem:s17+$0x8C00];
	_ =	sdelay $0x2  }
0x4d: {  	s18 =	simm.s32 $0x480  }
0x4e: {  	v5 =	vor.u32 s18, v0;
	v3 =	vand.u32 $0xFFFF, v1  }
0x4f: {  	v4 =	vand.u32 $0xFFFF, v2;
	v1 =	vshrl.u32 v1, $0x10;
	v3 =	vsub.s32 v5, v3  }
0x50: {  	v1 =	vsub.s32 v5, v1;
	v6 =	vsub.s32 v5, v4;
	v4 =	vshll.u32 v3, $0x3  }
0x51: {  	v3 =	vand.u32 $0x7F, v3;
	v7 =	vshll.u32 v1, $0x3;
	v4 =	vand.u32 $0xFFFFFC00, v4  }
0x52: {  	v1 =	vand.u32 $0x7F, v1;
	v4 =	vor.u32 v3, v4;
	v3 =	vand.u32 $0xFFFFFC00, v7  }
0x53: {  	v2 =	vshrl.u32 v2, $0x10;
	v3 =	vor.u32 v1, v3;
	v1 =	vshll.u32 v6, $0x3  }
0x54: {  	v5 =	vsub.s32 v5, v2;
	v2 =	vand.u32 $0x7F, v6;
	v1 =	vand.u32 $0xFFFFFC00, v1  }
0x55: {  	v6 =	vshll.u32 v5, $0x3;
	v2 =	vor.u32 v2, v1  }
0x56: {  	v1 =	vand.u32 $0x7F, v5;
	v5 =	vand.u32 $0xFFFFFC00, v6  }
0x57: {  	v1 =	vor.u32 v1, v5;
	v5 =	vld.idx.msk [tilespmem:v4+s3+$0x0], $0xffff  }
0x58: {  	v6 =	vld.idx.msk [tilespmem:v3+s3+$0x0], $0xffff;
	_ =	sdelay $0x1  }
0x59: {  	v7 =	vld.idx.msk [tilespmem:v2+s3+$0x0], $0xffff  }
0x5a: {  	s21 =	simm.s32 $0x2400  }
0x5b: {  	s19 =	sand.u32 $0x70, s3;
	s20 =	sand.u32 $0x7C00, s21;
	v8 =	vld.idx.msk [tilespmem:v1+s3+$0x0], $0xffff  }
0x5c: {  	s18 =	sor.u32 s19, s20;
	v5 =	vadd.f32 v6, v5  }
0x5d: {  	v6 =	vld [tilespmem:s18+$0x0]  }
0x5e: {  	v5 =	vadd.f32 v7, v5;
	_ =	sdelay $0x1  }
0x5f: {  	v5 =	vadd.f32 v8, v5;
	_ =	sdelay $0x1  }
0x60: {  	v7 =	vor.u32 $0x80, v4;
	v6 =	vmul.f32 $5.000000000e-01, v6;
	v5 =	vmul.f32 $1.250000000e-01, v5  }
0x61: {  	v8 =	vor.u32 $0x80, v3  }
0x62: {  	s22 =	sand.u32 $0x1C00, s3;
	v5 =	vadd.f32 v5, v6  }
0x63: {  	s17 =	sor.u32 s19, s22;
	v6 =	vor.u32 $0x80, v2  }
0x64: {  	[tilespmem:s17+$0x9000] =	vst v5  }
0x65: {  	v5 =	vor.u32 $0x80, v1;
	v7 =	vld.idx.msk [tilespmem:v7+s3+$0x0], $0xffff  }
0x66: {  	v8 =	vld.idx.msk [tilespmem:v8+s3+$0x0], $0xffff;
	_ =	sdelay $0x1  }
0x67: {  	v6 =	vld.idx.msk [tilespmem:v6+s3+$0x0], $0xffff;
	_ =	sdelay $0x1  }
0x68: {  	v5 =	vld.idx.msk [tilespmem:v5+s3+$0x0], $0xffff  }
0x69: {  	v7 =	vadd.f32 v8, v7  }
0x6a: {  	v8 =	vld [tilespmem:s18+$0x80]  }
0x6b: {  	v6 =	vadd.f32 v6, v7;
	_ =	sdelay $0x1  }
0x6c: {  	v5 =	vadd.f32 v5, v6;
	_ =	sdelay $0x1  }
0x6d: {  	v7 =	vor.u32 $0x100, v4;
	v6 =	vmul.f32 $5.000000000e-01, v8;
	v5 =	vmul.f32 $1.250000000e-01, v5  }
0x6e: {  	v8 =	vor.u32 $0x100, v3  }
0x6f: {  	v5 =	vadd.f32 v5, v6  }
0x70: {  	v6 =	vor.u32 $0x100, v2  }
0x71: {  	[tilespmem:s17+$0x9080] =	vst v5  }
0x72: {  	v5 =	vor.u32 $0x100, v1;
	v7 =	vld.idx.msk [tilespmem:v7+s3+$0x0], $0xffff  }
0x73: {  	v8 =	vld.idx.msk [tilespmem:v8+s3+$0x0], $0xffff;
	_ =	sdelay $0x1  }
0x74: {  	v6 =	vld.idx.msk [tilespmem:v6+s3+$0x0], $0xffff;
	_ =	sdelay $0x1  }
0x75: {  	v5 =	vld.idx.msk [tilespmem:v5+s3+$0x0], $0xffff  }
0x76: {  	v7 =	vadd.f32 v8, v7  }
0x77: {  	v8 =	vld [tilespmem:s18+$0x100]  }
0x78: {  	v6 =	vadd.f32 v6, v7;
	_ =	sdelay $0x1  }
0x79: {  	v5 =	vadd.f32 v5, v6;
	_ =	sdelay $0x1  }
0x7a: {  	v7 =	vor.u32 $0x180, v4;
	v6 =	vmul.f32 $5.000000000e-01, v8;
	v5 =	vmul.f32 $1.250000000e-01, v5  }
0x7b: {  	v8 =	vor.u32 $0x180, v3  }
0x7c: {  	v5 =	vadd.f32 v5, v6  }
0x7d: {  	v6 =	vor.u32 $0x180, v2  }
0x7e: {  	[tilespmem:s17+$0x9100] =	vst v5  }
0x7f: {  	s0 =	simm.s32 $0x10;
	v5 =	vld.idx.msk [tilespmem:v7+s3+$0x0], $0xffff;
	v7 =	vor.u32 $0x180, v1  }
0x80: {  	s23 =	sand.u32 $0x3F0, s0;
	v8 =	vld.idx.msk [tilespmem:v8+s3+$0x0], $0xffff  }
0x81: {  	v9 =	vld [tilespmem:s23+$0x8C00]  }
0x82: {  	s24 =	simm.s32 $0x8810;
	v6 =	vld.idx.msk [tilespmem:v6+s3+$0x0], $0xffff  }
0x83: {  	v10 =	vld [tilespmem:s24+$0x0]  }
0x84: {  	v7 =	vld.idx.msk [tilespmem:v7+s3+$0x0], $0xffff  }
0x85: {  	v5 =	vadd.f32 v8, v5  }
0x86: {  	v8 =	vld [tilespmem:s18+$0x180]  }
0x87: {  	s25 =	simm.s32 $0x490;
	v5 =	vadd.f32 v6, v5  }
0x88: {  	v11 =	vor.u32 s25, v0;
	v12 =	vand.u32 $0xFFFF, v10;
	v10 =	vshrl.u32 v10, $0x10  }
0x89: {  	v12 =	vsub.s32 v11, v12;
	v6 =	vand.u32 $0xFFFF, v9;
	v5 =	vadd.f32 v7, v5  }
0x8a: {  	v13 =	vor.u32 $0x200, v4;
	v7 =	vsub.s32 v11, v10;
	v10 =	vsub.s32 v11, v6  }
0x8b: {  	v6 =	vshll.u32 v12, $0x3;
	v8 =	vmul.f32 $5.000000000e-01, v8;
	v5 =	vmul.f32 $1.250000000e-01, v5  }
0x8c: {  	v14 =	vor.u32 $0x200, v3;
	v12 =	vand.u32 $0x7F, v12;
	v6 =	vand.u32 $0xFFFFFC00, v6  }
0x8d: {  	v15 =	vshll.u32 v7, $0x3;
	v6 =	vor.u32 v12, v6;
	v8 =	vadd.f32 v5, v8  }
0x8e: {  	v12 =	vor.u32 $0x200, v2;
	v5 =	vand.u32 $0x7F, v7;
	v7 =	vand.u32 $0xFFFFFC00, v15  }
0x8f: {  	v9 =	vshrl.u32 v9, $0x10;
	v5 =	vor.u32 v5, v7;
	v7 =	vshll.u32 v10, $0x3;
	[tilespmem:s17+$0x9180] =	vst v8  }
0x90: {  	v8 =	vand.u32 $0x7F, v10;
	v7 =	vand.u32 $0xFFFFFC00, v7;
	v10 =	vld.idx.msk [tilespmem:v13+s3+$0x0], $0xffff;
	v13 =	vor.u32 $0x200, v1  }
0x91: {  	v9 =	vsub.s32 v11, v9;
	v7 =	vor.u32 v8, v7;
	v11 =	vld.idx.msk [tilespmem:v14+s3+$0x0], $0xffff  }
0x92: {  	v8 =	vshll.u32 v9, $0x3;
	v14 =	vld.idx.msk [tilespmem:v6+s3+$0x0], $0xffff  }
0x93: {  	v9 =	vand.u32 $0x7F, v9;
	v12 =	vld.idx.msk [tilespmem:v12+s3+$0x0], $0xffff;
	v8 =	vand.u32 $0xFFFFFC00, v8  }
0x94: {  	v8 =	vor.u32 v9, v8;
	v9 =	vld.idx.msk [tilespmem:v5+s3+$0x0], $0xffff  }
0x95: {  	v13 =	vld.idx.msk [tilespmem:v13+s3+$0x0], $0xffff  }
0x96: {  	v15 =	vld.idx.msk [tilespmem:v7+s3+$0x0], $0xffff;
	v10 =	vadd.f32 v11, v10  }
0x97: {  	v11 =	vld [tilespmem:s18+$0x200]  }
0x98: {  	s11 =	simm.s32 $0x2480;
	v10 =	vadd.f32 v12, v10  }
0x99: {  	s26 =	sand.u32 $0x7C00, s11;
	s19 =	sand.u32 $0x70, s0;
	v12 =	vld.idx.msk [tilespmem:v8+s3+$0x0], $0xffff  }
0x9a: {  	s20 =	sor.u32 s19, s26;
	v9 =	vadd.f32 v9, v14;
	v10 =	vadd.f32 v13, v10  }
0x9b: {  	v14 =	vor.u32 $0x280, v4;
	v13 =	vld [tilespmem:s20+$0x0]  }
0x9c: {  	v9 =	vadd.f32 v15, v9;
	v11 =	vmul.f32 $5.000000000e-01, v11;
	v10 =	vmul.f32 $1.250000000e-01, v10  }
0x9d: {  	v15 =	vor.u32 $0x280, v3  }
0x9e: {  	v9 =	vadd.f32 v12, v9;
	v10 =	vadd.f32 v10, v11  }
0x9f: {  	v11 =	vor.u32 $0x280, v2  }
0xa0: {  	v9 =	vmul.f32 $1.250000000e-01, v9;
	v12 =	vmul.f32 $5.000000000e-01, v13;
	v13 =	vor.u32 $0x80, v6;
	[tilespmem:s17+$0x9200] =	vst v10  }
0xa1: {  	s2 =	simm.s32 $0x80;
	v10 =	vld.idx.msk [tilespmem:v14+s3+$0x0], $0xffff;
	v14 =	vor.u32 $0x280, v1  }
0xa2: {  	s22 =	sand.u32 $0x1C00, s2;
	v16 =	vor.u32 $0x80, v5;
	v9 =	vadd.f32 v9, v12;
	v12 =	vld.idx.msk [tilespmem:v15+s3+$0x0], $0xffff  }
0xa3: {  	s19 =	sor.u32 s19, s22  }
0xa4: {  	[tilespmem:s19+$0x9000] =	vst v9;
	v9 =	vld.idx.msk [tilespmem:v11+s3+$0x0], $0xffff  }
0xa5: {  	v11 =	vor.u32 $0x80, v7;
	v13 =	vld.idx.msk [tilespmem:v13+s3+$0x0], $0xffff  }
0xa6: {  	v14 =	vld.idx.msk [tilespmem:v14+s3+$0x0], $0xffff  }
0xa7: {  	v15 =	vor.u32 $0x80, v8;
	v16 =	vld.idx.msk [tilespmem:v16+s3+$0x0], $0xffff;
	v10 =	vadd.f32 v12, v10  }
0xa8: {  	v12 =	vld [tilespmem:s18+$0x280]  }
0xa9: {  	v9 =	vadd.f32 v9, v10  }
0xaa: {  	v10 =	vld.idx.msk [tilespmem:v11+s3+$0x0], $0xffff  }
0xab: {  	v9 =	vadd.f32 v14, v9  }
0xac: {  	v11 =	vld.idx.msk [tilespmem:v15+s3+$0x0], $0xffff;
	v13 =	vadd.f32 v16, v13  }
0xad: {  	v14 =	vor.u32 $0x300, v4;
	v12 =	vmul.f32 $5.000000000e-01, v12;
	v9 =	vmul.f32 $1.250000000e-01, v9  }
0xae: {  	v15 =	vld [tilespmem:s20+$0x80];
	v16 =	vor.u32 $0x300, v3  }
0xaf: {  	v10 =	vadd.f32 v10, v13;
	v9 =	vadd.f32 v9, v12  }
0xb0: {  	v12 =	vor.u32 $0x300, v2  }
0xb1: {  	v10 =	vadd.f32 v11, v10;
	[tilespmem:s17+$0x9280] =	vst v9  }
0xb2: {  	v11 =	vor.u32 $0x300, v1;
	v9 =	vld.idx.msk [tilespmem:v14+s3+$0x0], $0xffff  }
0xb3: {  	v13 =	vmul.f32 $5.000000000e-01, v15;
	v10 =	vmul.f32 $1.250000000e-01, v10;
	v14 =	vor.u32 $0x100, v6;
	v15 =	vld.idx.msk [tilespmem:v16+s3+$0x0], $0xffff;
	_ =	sdelay $0x1  }
0xb4: {  	v10 =	vadd.f32 v10, v13;
	v13 =	vor.u32 $0x100, v5;
	v12 =	vld.idx.msk [tilespmem:v12+s3+$0x0], $0xffff;
	_ =	sdelay $0x1  }
0xb5: {  	v16 =	vor.u32 $0x100, v7;
	[tilespmem:s19+$0x9080] =	vst v10;
	v10 =	vld.idx.msk [tilespmem:v11+s3+$0x0], $0xffff  }
0xb6: {  	v11 =	vld.idx.msk [tilespmem:v14+s3+$0x0], $0xffff;
	v9 =	vadd.f32 v15, v9  }
0xb7: {  	v14 =	vor.u32 $0x100, v8;
	v15 =	vld [tilespmem:s18+$0x300]  }
0xb8: {  	v13 =	vld.idx.msk [tilespmem:v13+s3+$0x0], $0xffff;
	v9 =	vadd.f32 v12, v9;
	_ =	sdelay $0x1  }
0xb9: {  	v12 =	vld.idx.msk [tilespmem:v16+s3+$0x0], $0xffff;
	v9 =	vadd.f32 v10, v9;
	_ =	sdelay $0x1  }
0xba: {  	v10 =	vld.idx.msk [tilespmem:v14+s3+$0x0], $0xffff;
	v14 =	vmul.f32 $5.000000000e-01, v15;
	v15 =	vor.u32 $0x380, v4;
	v9 =	vmul.f32 $1.250000000e-01, v9  }
0xbb: {  	v11 =	vadd.f32 v13, v11;
	v13 =	vor.u32 $0x380, v3  }
0xbc: {  	s23 =	simm.s32 $0x20;
	v16 =	vld [tilespmem:s20+$0x100];
	v9 =	vadd.f32 v9, v14  }
0xbd: {  	s13 =	sand.u32 $0x3F0, s23;
	v11 =	vadd.f32 v12, v11;
	v12 =	vor.u32 $0x380, v2  }
0xbe: {  	v14 =	vld [tilespmem:s13+$0x8C00];
	[tilespmem:s17+$0x9300] =	vst v9  }
0xbf: {  	v9 =	vadd.f32 v10, v11;
	v11 =	vor.u32 $0x380, v1;
	v10 =	vld.idx.msk [tilespmem:v15+s3+$0x0], $0xffff  }
0xc0: {  	s24 =	simm.s32 $0x8820;
	v13 =	vld.idx.msk [tilespmem:v13+s3+$0x0], $0xffff  }
0xc1: {  	v15 =	vmul.f32 $5.000000000e-01, v16;
	v16 =	vld [tilespmem:s24+$0x0]  }
0xc2: {  	s25 =	simm.s32 $0x4A0;
	v9 =	vmul.f32 $1.250000000e-01, v9;
	v12 =	vld.idx.msk [tilespmem:v12+s3+$0x0], $0xffff  }
0xc3: {  	v18 =	vor.u32 s25, v0  }
0xc4: {  	s21 =	sor.u32 s21, s3;
	v17 =	vor.u32 $0x180, v5;
	v9 =	vadd.f32 v9, v15;
	v15 =	vor.u32 $0x180, v6;
	v11 =	vld.idx.msk [tilespmem:v11+s3+$0x0], $0xffff  }
0xc5: {  	s21 =	sor.u32 $0x380, s21;
	v20 =	vor.u32 $0x180, v7;
	v22 =	vor.u32 $0x180, v8;
	v10 =	vadd.f32 v13, v10  }
0xc6: {  	v21 =	vld [tilespmem:s21+$0x0];
	v19 =	vshrl.u32 v14, $0x10;
	v13 =	vand.u32 $0xFFFF, v14;
	v14 =	vand.u32 $0xFFFF, v16  }
0xc7: {  	v16 =	vshrl.u32 v16, $0x10;
	v14 =	vsub.s32 v18, v14;
	v10 =	vadd.f32 v12, v10  }
0xc8: {  	[tilespmem:s19+$0x9100] =	vst v9;
	v16 =	vsub.s32 v18, v16;
	v13 =	vsub.s32 v18, v13;
	v9 =	vshll.u32 v14, $0x3  }
0xc9: {  	v14 =	vand.u32 $0x7F, v14;
	v15 =	vld.idx.msk [tilespmem:v15+s3+$0x0], $0xffff;
	v9 =	vand.u32 $0xFFFFFC00, v9;
	v10 =	vadd.f32 v11, v10  }
0xca: {  	v12 =	vsub.s32 v18, v19;
	v19 =	vadd.s32 $0x4400, v4;
	v11 =	vld.idx.msk [tilespmem:v17+s3+$0x0], $0xffff;
	v9 =	vor.u32 v14, v9  }
0xcb: {  	v17 =	vshll.u32 v16, $0x3;
	v14 =	vmul.f32 $5.000000000e-01, v21;
	v18 =	vmul.f32 $1.250000000e-01, v10  }
0xcc: {  	v20 =	vld.idx.msk [tilespmem:v20+s3+$0x0], $0xffff;
	v10 =	vand.u32 $0x7F, v16;
	v16 =	vand.u32 $0xFFFFFC00, v17;
	v17 =	vadd.s32 $0x4400, v3  }
0xcd: {  	s26 =	sor.u32 s3, s3;
	v21 =	vld [tilespmem:s20+$0x180];
	v10 =	vor.u32 v10, v16;
	v16 =	vshll.u32 v13, $0x3;
	v14 =	vadd.f32 v18, v14  }
0xce: {  	s21 =	sor.u32 $0x380, s26;
	v13 =	vand.u32 $0x7F, v13;
	v18 =	vld.idx.msk [tilespmem:v22+s3+$0x0], $0xffff;
	v16 =	vand.u32 $0xFFFFFC00, v16;
	v22 =	vadd.s32 $0x4400, v2  }
0xcf: {  	v23 =	vshll.u32 v12, $0x3;
	v15 =	vadd.f32 v11, v15;
	v11 =	vor.u32 v13, v16;
	v13 =	vld.idx.msk [tilespmem:v9+s3+$0x0], $0xffff;
	[tilespmem:s21+$0x9000] =	vst v14  }
0xd0: {  	v12 =	vand.u32 $0x7F, v12;
	v14 =	vand.u32 $0xFFFFFC00, v23;
	v16 =	vld.idx.msk [tilespmem:v19+s3+$0x0], $0xffff;
	v19 =	vadd.s32 $0x4400, v1  }
0xd1: {  	v12 =	vor.u32 v12, v14;
	v14 =	vadd.f32 v20, v15;
	v15 =	vld.idx.msk [tilespmem:v17+s3+$0x0], $0xffff  }
0xd2: {  	v17 =	vld.idx.msk [tilespmem:v10+s3+$0x0], $0xffff  }
0xd3: {  	v14 =	vadd.f32 v18, v14;
	v18 =	vld.idx.msk [tilespmem:v22+s3+$0x0], $0xffff  }
0xd4: {  	v20 =	vld.idx.msk [tilespmem:v11+s3+$0x0], $0xffff  }
0xd5: {  	v21 =	vmul.f32 $5.000000000e-01, v21;
	v22 =	vor.u32 $0x200, v6;
	v14 =	vmul.f32 $1.250000000e-01, v14;
	v19 =	vld.idx.msk [tilespmem:v19+s3+$0x0], $0xffff  }
0xd6: {  	s25 =	simm.s32 $0x2500;
	v24 =	vor.u32 $0x200, v5;
	v23 =	vld.idx.msk [tilespmem:v12+s3+$0x0], $0xffff;
	v15 =	vadd.f32 v15, v16  }
0xd7: {  	s13 =	sand.u32 $0x70, s23;
	s26 =	sand.u32 $0x7C00, s25;
	v16 =	vld [tilespmem:s18+$0x4400];
	v14 =	vadd.f32 v14, v21  }
0xd8: {  	s21 =	sor.u32 s13, s26;
	v13 =	vadd.f32 v17, v13;
	v21 =	vor.u32 $0x200, v7;
	v15 =	vadd.f32 v18, v15  }
0xd9: {  	v17 =	vld [tilespmem:s21+$0x0];
	[tilespmem:s19+$0x9180] =	vst v14  }
0xda: {  	v18 =	vor.u32 $0x200, v8;
	v13 =	vadd.f32 v20, v13;
	v14 =	vld.idx.msk [tilespmem:v22+s3+$0x0], $0xffff;
	v15 =	vadd.f32 v19, v15  }
0xdb: {  	v20 =	vadd.s32 $0x4480, v4;
	v19 =	vld.idx.msk [tilespmem:v24+s3+$0x0], $0xffff  }
0xdc: {  	v13 =	vadd.f32 v23, v13;
	v16 =	vmul.f32 $5.000000000e-01, v16;
	v15 =	vmul.f32 $1.250000000e-01, v15  }
0xdd: {  	v22 =	vadd.s32 $0x4480, v3;
	v23 =	vor.u32 $0x80, v9;
	v21 =	vld.idx.msk [tilespmem:v21+s3+$0x0], $0xffff  }
0xde: {  	v17 =	vmul.f32 $5.000000000e-01, v17;
	v13 =	vmul.f32 $1.250000000e-01, v13;
	v15 =	vadd.f32 v15, v16  }
0xdf: {  	s26 =	simm.s32 $0x100;
	v16 =	vld.idx.msk [tilespmem:v18+s3+$0x0], $0xffff;
	v18 =	vadd.s32 $0x4480, v2  }
0xe0: {  	s24 =	sand.u32 $0x1C00, s26;
	v24 =	vor.u32 $0x80, v10;
	v13 =	vadd.f32 v13, v17;
	v17 =	vld [tilespmem:s20+$0x200];
	v14 =	vadd.f32 v19, v14;
	[tilespmem:s17+$0xB000] =	vst v15  }
0xe1: {  	s22 =	sor.u32 s13, s24;
	v19 =	vadd.s32 $0x4480, v1;
	v15 =	vld.idx.msk [tilespmem:v20+s3+$0x0], $0xffff  }
0xe2: {  	[tilespmem:s22+$0x9000] =	vst v13;
	v20 =	vor.u32 $0x80, v11;
	v13 =	vadd.f32 v21, v14;
	v14 =	vld.idx.msk [tilespmem:v22+s3+$0x0], $0xffff  }
0xe3: {  	v21 =	vld.idx.msk [tilespmem:v23+s3+$0x0], $0xffff  }
0xe4: {  	v22 =	vor.u32 $0x80, v12;
	v13 =	vadd.f32 v16, v13;
	v16 =	vld.idx.msk [tilespmem:v18+s3+$0x0], $0xffff  }
0xe5: {  	v18 =	vld.idx.msk [tilespmem:v24+s3+$0x0], $0xffff  }
0xe6: {  	v23 =	vor.u32 $0x280, v6;
	v17 =	vmul.f32 $5.000000000e-01, v17;
	v19 =	vld.idx.msk [tilespmem:v19+s3+$0x0], $0xffff;
	v13 =	vmul.f32 $1.250000000e-01, v13  }
0xe7: {  	v24 =	vor.u32 $0x280, v5;
	v20 =	vld.idx.msk [tilespmem:v20+s3+$0x0], $0xffff;
	v14 =	vadd.f32 v14, v15  }
0xe8: {  	v15 =	vld [tilespmem:s18+$0x4480];
	v13 =	vadd.f32 v13, v17  }
0xe9: {  	v17 =	vld.idx.msk [tilespmem:v22+s3+$0x0], $0xffff;
	v22 =	vor.u32 $0x280, v7;
	v14 =	vadd.f32 v16, v14  }
0xea: {  	v16 =	vadd.f32 v18, v21;
	v18 =	vld [tilespmem:s21+$0x80];
	[tilespmem:s19+$0x9200] =	vst v13  }
0xeb: {  	v21 =	vor.u32 $0x280, v8;
	v13 =	vld.idx.msk [tilespmem:v23+s3+$0x0], $0xffff;
	v14 =	vadd.f32 v19, v14  }
0xec: {  	v19 =	vld.idx.msk [tilespmem:v24+s3+$0x0], $0xffff;
	v16 =	vadd.f32 v20, v16  }
0xed: {  	v15 =	vmul.f32 $5.000000000e-01, v15;
	v20 =	vadd.s32 $0x4500, v4;
	v14 =	vmul.f32 $1.250000000e-01, v14  }
0xee: {  	v22 =	vld.idx.msk [tilespmem:v22+s3+$0x0], $0xffff  }
0xef: {  	v23 =	vadd.s32 $0x4500, v3;
	v16 =	vadd.f32 v17, v16;
	v14 =	vadd.f32 v14, v15  }
0xf0: {  	v17 =	vld.idx.msk [tilespmem:v21+s3+$0x0], $0xffff;
	v15 =	vmul.f32 $5.000000000e-01, v18;
	v18 =	vadd.s32 $0x4500, v2  }
0xf1: {  	v21 =	vor.u32 $0x100, v9;
	v16 =	vmul.f32 $1.250000000e-01, v16;
	v13 =	vadd.f32 v19, v13;
	v19 =	vld [tilespmem:s20+$0x280];
	[tilespmem:s17+$0xB080] =	vst v14  }
0xf2: {  	v14 =	vld.idx.msk [tilespmem:v20+s3+$0x0], $0xffff;
	v20 =	vadd.s32 $0x4500, v1  }
0xf3: {  	v15 =	vadd.f32 v16, v15;
	v16 =	vor.u32 $0x100, v10;
	v13 =	vadd.f32 v22, v13  }
0xf4: {  	v22 =	vld.idx.msk [tilespmem:v23+s3+$0x0], $0xffff;
	v23 =	vor.u32 $0x100, v12  }
0xf5: {  	[tilespmem:s22+$0x9080] =	vst v15;
	v13 =	vadd.f32 v17, v13;
	v15 =	vld.idx.msk [tilespmem:v18+s3+$0x0], $0xffff  }
0xf6: {  	v17 =	vor.u32 $0x100, v11;
	v18 =	vld.idx.msk [tilespmem:v21+s3+$0x0], $0xffff  }
0xf7: {  	v21 =	vor.u32 $0x300, v6;
	v19 =	vmul.f32 $5.000000000e-01, v19;
	v13 =	vmul.f32 $1.250000000e-01, v13;
	v20 =	vld.idx.msk [tilespmem:v20+s3+$0x0], $0xffff  }
0xf8: {  	v24 =	vor.u32 $0x300, v5;
	v16 =	vld.idx.msk [tilespmem:v16+s3+$0x0], $0xffff  }
0xf9: {  	v14 =	vadd.f32 v22, v14;
	v22 =	vld.idx.msk [tilespmem:v23+s3+$0x0], $0xffff;
	v13 =	vadd.f32 v13, v19  }
0xfa: {  	v23 =	vor.u32 $0x300, v7;
	v19 =	vld [tilespmem:s18+$0x4500]  }
0xfb: {  	v14 =	vadd.f32 v15, v14;
	v15 =	vld.idx.msk [tilespmem:v17+s3+$0x0], $0xffff;
	[tilespmem:s19+$0x9280] =	vst v13  }
0xfc: {  	v17 =	vor.u32 $0x300, v8;
	v13 =	vld.idx.msk [tilespmem:v21+s3+$0x0], $0xffff  }
0xfd: {  	v14 =	vadd.f32 v20, v14;
	v20 =	vld.idx.msk [tilespmem:v24+s3+$0x0], $0xffff  }
0xfe: {  	v16 =	vadd.f32 v16, v18;
	v18 =	vld [tilespmem:s21+$0x100]  }
0xff: {  	v21 =	vadd.s32 $0x4580, v4;
	v23 =	vld.idx.msk [tilespmem:v23+s3+$0x0], $0xffff;
	v19 =	vmul.f32 $5.000000000e-01, v19;
	v14 =	vmul.f32 $1.250000000e-01, v14  }
0x100: {  	v24 =	vadd.s32 $0x4580, v3;
	v15 =	vadd.f32 v15, v16  }
0x101: {  	s29 =	simm.s32 $0x30;
	v16 =	vld.idx.msk [tilespmem:v17+s3+$0x0], $0xffff;
	v17 =	vadd.s32 $0x4580, v2;
	v14 =	vadd.f32 v14, v19  }
0x102: {  	s13 =	sand.u32 $0x3F0, s29;
	v15 =	vadd.f32 v22, v15;
	v19 =	vld [tilespmem:s20+$0x300];
	v13 =	vadd.f32 v20, v13  }
0x103: {  	v29 =	vor.u32 $0x180, v12;
	v22 =	vld [tilespmem:s13+$0x8C00];
	v20 =	vadd.s32 $0x4580, v1;
	[tilespmem:s17+$0xB100] =	vst v14  }
0x104: {  	v18 =	vmul.f32 $5.000000000e-01, v18;
	v15 =	vmul.f32 $1.250000000e-01, v15;
	v14 =	vld.idx.msk [tilespmem:v21+s3+$0x0], $0xffff;
	v13 =	vadd.f32 v23, v13  }
0x105: {  	v21 =	vld.idx.msk [tilespmem:v24+s3+$0x0], $0xffff;
	v23 =	vor.u32 $0x180, v10  }
0x106: {  	s31 =	simm.s32 $0x8830;
	v17 =	vld.idx.msk [tilespmem:v17+s3+$0x0], $0xffff;
	v15 =	vadd.f32 v15, v18;
	v13 =	vadd.f32 v16, v13  }
0x107: {  	v18 =	vor.u32 $0x180, v9;
	v16 =	vld [tilespmem:s31+$0x0]  }
0x108: {  	v19 =	vmul.f32 $5.000000000e-01, v19;
	[tilespmem:s22+$0x9100] =	vst v15;
	v15 =	vld.idx.msk [tilespmem:v20+s3+$0x0], $0xffff;
	v20 =	vor.u32 $0x380, v6;
	v13 =	vmul.f32 $1.250000000e-01, v13  }
0x109: {  	v30 =	vadd.s32 $0x4600, v3;
	v26 =	vor.u32 $0x380, v5;
	v29 =	vld.idx.msk [tilespmem:v29+s3+$0x0], $0xffff  }
0x10a: {  	v27 =	vor.u32 $0x180, v11;
	s13 =	simm.s32 $0x4B0;
	v14 =	vadd.f32 v21, v14;
	v23 =	vld.idx.msk [tilespmem:v23+s3+$0x0], $0xffff;
	v13 =	vadd.f32 v13, v19  }
0x10b: {  	v28 =	vor.u32 $0x380, v7;
	v24 =	vor.u32 s13, v0;
	v21 =	vshrl.u32 v22, $0x10;
	v19 =	vld [tilespmem:s18+$0x4580]  }
0x10c: {  	v22 =	vand.u32 $0xFFFF, v22;
	v18 =	vld.idx.msk [tilespmem:v18+s3+$0x0], $0xffff;
	v14 =	vadd.f32 v17, v14;
	v17 =	vand.u32 $0xFFFF, v16;
	[tilespmem:s19+$0x9300] =	vst v13  }
0x10d: {  	v16 =	vshrl.u32 v16, $0x10;
	v13 =	vsub.s32 v24, v21;
	v21 =	vor.u32 $0x380, v8;
	v20 =	vld.idx.msk [tilespmem:v20+s3+$0x0], $0xffff  }
0x10e: {  	v14 =	vadd.f32 v15, v14;
	v15 =	vsub.s32 v24, v17;
	v17 =	vsub.s32 v24, v22;
	v22 =	vld.idx.msk [tilespmem:v26+s3+$0x0], $0xffff  }
0x10f: {  	s11 =	sor.u32 s11, s0;
	v16 =	vsub.s32 v24, v16;
	v24 =	vld.idx.msk [tilespmem:v27+s3+$0x0], $0xffff;
	v26 =	vadd.s32 $0x4600, v4;
	v27 =	vand.u32 $0x7F, v13  }
0x110: {  	s11 =	sor.u32 $0x380, s11;
	v13 =	vshll.u32 v13, $0x3;
	v28 =	vld.idx.msk [tilespmem:v28+s3+$0x0], $0xffff;
	v19 =	vmul.f32 $5.000000000e-01, v19;
	v14 =	vmul.f32 $1.250000000e-01, v14  }
0x111: {  	s30 =	simm.s32 $0x2580;
	v32 =	vand.u32 $0x7F, v16;
	v33 =	vshll.u32 v16, $0x3;
	v18 =	vadd.f32 v23, v18;
	v23 =	vld [tilespmem:s11+$0x0]  }
0x112: {  	s13 =	sand.u32 $0x7C00, s30;
	v13 =	vand.u32 $0xFFFFFC00, v13;
	s11 =	sand.u32 $0x70, s29;
	v14 =	vadd.f32 v14, v19;
	v19 =	vld.idx.msk [tilespmem:v21+s3+$0x0], $0xffff;
	v21 =	vadd.s32 $0x4600, v2  }
0x113: {  	v25 =	vld [tilespmem:s21+$0x180];
	v31 =	vand.u32 $0x7F, v15;
	v15 =	vshll.u32 v15, $0x3;
	v13 =	vor.u32 v27, v13;
	s24 =	sor.u32 s11, s13  }
0x114: {  	v27 =	vld [tilespmem:s24+$0x0];
	[tilespmem:s17+$0xB180] =	vst v14;
	v14 =	vand.u32 $0xFFFFFC00, v15;
	v15 =	vadd.f32 v22, v20;
	v22 =	vadd.s32 $0x4600, v1  }
0x115: {  	v18 =	vadd.f32 v24, v18;
	v20 =	vld.idx.msk [tilespmem:v26+s3+$0x0], $0xffff;
	v16 =	vor.u32 v31, v14;
	v14 =	vand.u32 $0xFFFFFC00, v33  }
0x116: {  	v24 =	vld.idx.msk [tilespmem:v30+s3+$0x0], $0xffff;
	v26 =	vshll.u32 v17, $0x3;
	v14 =	vor.u32 v32, v14;
	v28 =	vadd.f32 v28, v15  }
0x117: {  	v18 =	vadd.f32 v29, v18;
	v15 =	vand.u32 $0x7F, v17;
	v17 =	vand.u32 $0xFFFFFC00, v26;
	v21 =	vld.idx.msk [tilespmem:v21+s3+$0x0], $0xffff  }
0x118: {  	v15 =	vor.u32 v15, v17;
	v17 =	vld.idx.msk [tilespmem:v13+s3+$0x0], $0xffff;
	v19 =	vadd.f32 v19, v28  }
0x119: {  	v25 =	vmul.f32 $5.000000000e-01, v25;
	v26 =	vor.u32 $0x200, v11;
	v18 =	vmul.f32 $1.250000000e-01, v18;
	v22 =	vld.idx.msk [tilespmem:v22+s3+$0x0], $0xffff  }
0x11a: {  	v23 =	vmul.f32 $5.000000000e-01, v23;
	v29 =	vadd.s32 $0x4400, v6;
	v28 =	vld.idx.msk [tilespmem:v16+s3+$0x0], $0xffff;
	v19 =	vmul.f32 $1.250000000e-01, v19  }
0x11b: {  	v18 =	vadd.f32 v18, v25;
	v25 =	vadd.s32 $0x4400, v5;
	v20 =	vadd.f32 v24, v20;
	v30 =	vld.idx.msk [tilespmem:v14+s3+$0x0], $0xffff  }
0x11c: {  	s0 =	sor.u32 s2, s0;
	v24 =	vor.u32 $0x200, v9;
	v19 =	vadd.f32 v19, v23;
	v23 =	vld [tilespmem:s18+$0x4600]  }
0x11d: {  	s0 =	sor.u32 $0x380, s0;
	[tilespmem:s22+$0x9180] =	vst v18;
	v18 =	vadd.s32 $0x4400, v7;
	v31 =	vld.idx.msk [tilespmem:v15+s3+$0x0], $0xffff;
	v20 =	vadd.f32 v21, v20  }
0x11e: {  	v21 =	vor.u32 $0x200, v10;
	v26 =	vld.idx.msk [tilespmem:v26+s3+$0x0], $0xffff;
	[tilespmem:s0+$0x9000] =	vst v19  }
0x11f: {  	v20 =	vadd.f32 v22, v20;
	v19 =	vld.idx.msk [tilespmem:v29+s3+$0x0], $0xffff;
	v29 =	vadd.s32 $0x4400, v8  }
0x120: {  	v22 =	vld.idx.msk [tilespmem:v25+s3+$0x0], $0xffff;
	v25 =	vadd.s32 $0x4680, v4  }
0x121: {  	v24 =	vld.idx.msk [tilespmem:v24+s3+$0x0], $0xffff;
	v28 =	vadd.f32 v30, v28;
	v20 =	vmul.f32 $1.250000000e-01, v20;
	v23 =	vmul.f32 $5.000000000e-01, v23  }
0x122: {  	v18 =	vld.idx.msk [tilespmem:v18+s3+$0x0], $0xffff;
	v30 =	vadd.s32 $0x4680, v3  }
0x123: {  	v21 =	vld.idx.msk [tilespmem:v21+s3+$0x0], $0xffff;
	v28 =	vadd.f32 v31, v28;
	v20 =	vadd.f32 v20, v23  }
0x124: {  	v31 =	vor.u32 $0x200, v12;
	v23 =	vld.idx.msk [tilespmem:v29+s3+$0x0], $0xffff  }
0x125: {  	v29 =	vadd.s32 $0x4680, v2;
	v17 =	vadd.f32 v17, v28;
	v28 =	vld [tilespmem:s20+$0x4400];
	[tilespmem:s17+$0xB200] =	vst v20  }
0x126: {  	v19 =	vadd.f32 v22, v19;
	v22 =	vadd.s32 $0x4680, v1;
	v20 =	vld.idx.msk [tilespmem:v25+s3+$0x0], $0xffff  }
0x127: {  	v25 =	vmul.f32 $5.000000000e-01, v27;
	v17 =	vmul.f32 $1.250000000e-01, v17;
	v27 =	vor.u32 $0x80, v16;
	v30 =	vld.idx.msk [tilespmem:v30+s3+$0x0], $0xffff  }
0x128: {  	s2 =	simm.s32 $0x180;
	v32 =	vor.u32 $0x80, v14;
	v18 =	vadd.f32 v18, v19;
	v21 =	vadd.f32 v21, v24;
	v24 =	vld [tilespmem:s21+$0x200]  }
0x129: {  	s13 =	sand.u32 $0x1C00, s2;
	v31 =	vld.idx.msk [tilespmem:v31+s3+$0x0], $0xffff;
	v17 =	vadd.f32 v17, v25  }
0x12a: {  	s28 =	sor.u32 s11, s13;
	v25 =	vor.u32 $0x80, v15;
	v19 =	vld.idx.msk [tilespmem:v29+s3+$0x0], $0xffff;
	v18 =	vadd.f32 v23, v18  }
0x12b: {  	v21 =	vadd.f32 v26, v21;
	v22 =	vld.idx.msk [tilespmem:v22+s3+$0x0], $0xffff;
	[tilespmem:s28+$0x9000] =	vst v17  }
0x12c: {  	v26 =	vmul.f32 $5.000000000e-01, v28;
	v17 =	vor.u32 $0x80, v13;
	v27 =	vld.idx.msk [tilespmem:v27+s3+$0x0], $0xffff;
	v18 =	vmul.f32 $1.250000000e-01, v18  }
0x12d: {  	v23 =	vadd.s32 $0x4480, v6;
	v28 =	vld.idx.msk [tilespmem:v32+s3+$0x0], $0xffff;
	v20 =	vadd.f32 v30, v20  }
0x12e: {  	v29 =	vadd.s32 $0x4480, v5;
	v21 =	vadd.f32 v31, v21;
	v18 =	vadd.f32 v18, v26;
	v26 =	vld [tilespmem:s18+$0x4680]  }
0x12f: {  	v25 =	vld.idx.msk [tilespmem:v25+s3+$0x0], $0xffff;
	v19 =	vadd.f32 v19, v20  }
0x130: {  	v30 =	vadd.s32 $0x4480, v7;
	v21 =	vmul.f32 $1.250000000e-01, v21  }
0x131: {  	v31 =	vld.idx.msk [tilespmem:v17+s3+$0x0], $0xffff;
	v17 =	vmul.f32 $5.000000000e-01, v24;
	v24 =	vor.u32 $0x280, v9;
	[tilespmem:s19+$0xB000] =	vst v18;
	v18 =	vadd.f32 v22, v19  }
0x132: {  	v20 =	vld.idx.msk [tilespmem:v23+s3+$0x0], $0xffff;
	v23 =	vadd.s32 $0x4480, v8;
	v19 =	vadd.f32 v28, v27  }
0x133: {  	v22 =	vld.idx.msk [tilespmem:v29+s3+$0x0], $0xffff;
	v17 =	vadd.f32 v21, v17;
	v26 =	vmul.f32 $5.000000000e-01, v26;
	v18 =	vmul.f32 $1.250000000e-01, v18  }
0x134: {  	v28 =	vld [tilespmem:s24+$0x80];
	v27 =	vadd.f32 v25, v19;
	v19 =	vadd.s32 $0x4700, v4  }
0x135: {  	v21 =	vld.idx.msk [tilespmem:v30+s3+$0x0], $0xffff;
	[tilespmem:s22+$0x9200] =	vst v17;
	v30 =	vadd.f32 v18, v26;
	v18 =	vadd.s32 $0x4700, v3  }
0x136: {  	v25 =	vld.idx.msk [tilespmem:v24+s3+$0x0], $0xffff;
	v26 =	vor.u32 $0x280, v10  }
0x137: {  	v17 =	vadd.s32 $0x4700, v2;
	v24 =	vld [tilespmem:s20+$0x4480]  }
0x138: {  	s11 =	simm.s32 $0x40;
	s0 =	simm.s32 $0x180;
	v29 =	vadd.f32 v31, v27;
	v27 =	vor.u32 $0x280, v11;
	v23 =	vld.idx.msk [tilespmem:v23+s3+$0x0], $0xffff;
	[tilespmem:s17+$0xB280] =	vst v30  }
.LBB2_2:
0x139: {  	p3 =	sne.s32 s11, $0x3F0;
	v20 =	vadd.f32 v22, v20;
	v19 =	vld.idx.msk [tilespmem:v19+s3+$0x0], $0xffff;
	v22 =	vadd.s32 $0x4700, v1  }
0x13a: {  	v28 =	vmul.f32 $5.000000000e-01, v28;
	v30 =	vor.u32 $0x100, v13;
	v29 =	vmul.f32 $1.250000000e-01, v29;
	v18 =	vld.idx.msk [tilespmem:v18+s3+$0x0], $0xffff  }
0x13b: {  	v31 =	vor.u32 $0x280, v12;
	v26 =	vld.idx.msk [tilespmem:v26+s3+$0x0], $0xffff;
	v20 =	vadd.f32 v21, v20  }
0x13c: {  	v21 =	vadd.f32 v29, v28;
	v17 =	vld.idx.msk [tilespmem:v17+s3+$0x0], $0xffff  }
0x13d: {  	v28 =	vor.u32 $0x100, v15;
	v27 =	vld.idx.msk [tilespmem:v27+s3+$0x0], $0xffff;
	v20 =	vadd.f32 v23, v20  }
0x13e: {  	[tilespmem:s28+$0x9080] =	vst v21;
	v21 =	vld.idx.msk [tilespmem:v22+s3+$0x0], $0xffff  }
0x13f: {  	v23 =	vmul.f32 $5.000000000e-01, v24;
	v24 =	vadd.s32 $0x4500, v6;
	v22 =	vld.idx.msk [tilespmem:v30+s3+$0x0], $0xffff;
	v20 =	vmul.f32 $1.250000000e-01, v20  }
0x140: {  	v30 =	vadd.s32 $0x4500, v5;
	v18 =	vadd.f32 v18, v19;
	v29 =	vld.idx.msk [tilespmem:v31+s3+$0x0], $0xffff  }
0x141: {  	v19 =	vor.u32 $0x100, v16;
	v20 =	vadd.f32 v20, v23;
	v23 =	vld [tilespmem:s18+$0x4700]  }
0x142: {  	v25 =	vadd.f32 v26, v25;
	v26 =	vadd.s32 $0x4500, v7;
	v17 =	vadd.f32 v17, v18;
	v28 =	vld.idx.msk [tilespmem:v28+s3+$0x0], $0xffff  }
0x143: {  	v18 =	vor.u32 $0x100, v14;
	v31 =	vld [tilespmem:s21+$0x280];
	[tilespmem:s19+$0xB080] =	vst v20  }
0x144: {  	v20 =	vadd.f32 v27, v25;
	v25 =	vadd.s32 $0x4500, v8;
	v17 =	vadd.f32 v21, v17;
	v24 =	vld.idx.msk [tilespmem:v24+s3+$0x0], $0xffff  }
0x145: {  	v27 =	vadd.s32 $0x4780, v4;
	v4 =	vmovc v6;
	v6 =	vmov v9;
	v9 =	vmov v16;
	v21 =	vld.idx.msk [tilespmem:v30+s3+$0x0], $0xffff  }
0x146: {  	v17 =	vmul.f32 $1.250000000e-01, v17;
	v16 =	vld.idx.msk [tilespmem:v19+s3+$0x0], $0xffff;
	v19 =	vadd.f32 v29, v20;
	v20 =	vmul.f32 $5.000000000e-01, v23  }
0x147: {  	v23 =	vor.u32 $0x300, v6;
	v29 =	vadd.s32 $0x4780, v3;
	v3 =	vmovc v5;
	v5 =	vmovc v10;
	v10 =	vmov v14;
	v26 =	vld.idx.msk [tilespmem:v26+s3+$0x0], $0xffff  }
0x148: {  	v14 =	vld.idx.msk [tilespmem:v18+s3+$0x0], $0xffff;
	v18 =	vmul.f32 $5.000000000e-01, v31;
	v19 =	vmul.f32 $1.250000000e-01, v19;
	v17 =	vadd.f32 v17, v20  }
0x149: {  	v20 =	vld.idx.msk [tilespmem:v25+s3+$0x0], $0xffff;
	v25 =	vadd.s32 $0x4780, v2;
	v2 =	vmovc v7;
	v7 =	vmov v11;
	v11 =	vmov v15  }
0x14a: {  	v15 =	vadd.f32 v19, v18;
	v18 =	vor.u32 $0x300, v5;
	v19 =	vld [tilespmem:s20+$0x4500];
	[tilespmem:s17+$0xB300] =	vst v17  }
0x14b: {  	v17 =	vadd.f32 v21, v24;
	v24 =	vadd.s32 $0x4780, v1;
	v1 =	vmovc v8;
	v8 =	vmovc v12;
	v12 =	vmov v13;
	v21 =	vld.idx.msk [tilespmem:v27+s3+$0x0], $0xffff  }
0x14c: {  	[tilespmem:s22+$0x9280] =	vst v15;
	v13 =	vld.idx.msk [tilespmem:v29+s3+$0x0], $0xffff  }
0x14d: {  	v17 =	vadd.f32 v26, v17;
	v15 =	vld.idx.msk [tilespmem:v23+s3+$0x0], $0xffff;
	v23 =	vor.u32 $0x300, v7  }
0x14e: {  	v25 =	vld.idx.msk [tilespmem:v25+s3+$0x0], $0xffff  }
0x14f: {  	v26 =	vor.u32 $0x300, v8;
	v17 =	vadd.f32 v20, v17;
	v18 =	vld.idx.msk [tilespmem:v18+s3+$0x0], $0xffff  }
0x150: {  	v20 =	vadd.s32 $0x4580, v4;
	v24 =	vld.idx.msk [tilespmem:v24+s3+$0x0], $0xffff  }
0x151: {  	v14 =	vadd.f32 v14, v16;
	v19 =	vmul.f32 $5.000000000e-01, v19;
	v17 =	vmul.f32 $1.250000000e-01, v17;
	v16 =	vld [tilespmem:s24+$0x100]  }
0x152: {  	v27 =	vadd.s32 $0x4580, v3;
	v13 =	vadd.f32 v13, v21;
	v23 =	vld.idx.msk [tilespmem:v23+s3+$0x0], $0xffff  }
0x153: {  	v14 =	vadd.f32 v28, v14;
	v17 =	vadd.f32 v17, v19;
	v19 =	vld [tilespmem:s18+$0x4780];
	s18 =	smov.u32 s20;
	s20 =	smov.u32 s21;
	s21 =	smov.u32 s24  }
0x154: {  	v13 =	vadd.f32 v25, v13;
	v21 =	vld.idx.msk [tilespmem:v26+s3+$0x0], $0xffff;
	v26 =	vadd.s32 $0x4580, v2  }
0x155: {  	v14 =	vadd.f32 v22, v14;
	v22 =	vld [tilespmem:s20+$0x300];
	[tilespmem:s19+$0xB100] =	vst v17  }
0x156: {  	v15 =	vadd.f32 v18, v15;
	v18 =	vadd.s32 $0x4580, v1;
	v13 =	vadd.f32 v24, v13;
	v17 =	vld.idx.msk [tilespmem:v20+s3+$0x0], $0xffff  }
0x157: {  	s24 =	sand.u32 $0x3F0, s11;
	v14 =	vmul.f32 $1.250000000e-01, v14;
	v16 =	vmul.f32 $5.000000000e-01, v16;
	v20 =	vld.idx.msk [tilespmem:v27+s3+$0x0], $0xffff  }
0x158: {  	v15 =	vadd.f32 v23, v15;
	v13 =	vmul.f32 $1.250000000e-01, v13;
	v24 =	vld [tilespmem:s24+$0x8C00];
	v19 =	vmul.f32 $5.000000000e-01, v19  }
0x159: {  	s31 =	sadd.s32 $0x10, s31;
	v14 =	vadd.f32 v14, v16;
	v16 =	vld.idx.msk [tilespmem:v26+s3+$0x0], $0xffff  }
0x15a: {  	v25 =	vor.u32 $0x180, v9;
	v15 =	vadd.f32 v21, v15;
	v23 =	vld [tilespmem:s31+$0x0];
	v13 =	vadd.f32 v13, v19  }
0x15b: {  	[tilespmem:s28+$0x9100] =	vst v14;
	v14 =	vor.u32 $0x180, v10;
	v18 =	vld.idx.msk [tilespmem:v18+s3+$0x0], $0xffff  }
0x15c: {  	s24 =	sadd.s32 $0x480, s11;
	v21 =	vor.u32 $0x380, v6;
	v19 =	vmul.f32 $5.000000000e-01, v22;
	v15 =	vmul.f32 $1.250000000e-01, v15;
	[tilespmem:s17+$0xB380] =	vst v13;
	s17 =	smov.u32 s19;
	s19 =	smov.u32 s22  }
0x15d: {  	v26 =	vor.u32 $0x380, v5;
	v13 =	vor.u32 s24, v0;
	v17 =	vadd.f32 v20, v17;
	s22 =	smov.u32 s28;
	v22 =	vld [tilespmem:s21+$0x180]  }
0x15e: {  	v27 =	vor.u32 $0x180, v11;
	v20 =	vshrl.u32 v24, $0x10;
	v15 =	vadd.f32 v15, v19;
	v19 =	vld [tilespmem:s18+$0x4580]  }
0x15f: {  	v28 =	vor.u32 $0x380, v7;
	v24 =	vand.u32 $0xFFFF, v24;
	v16 =	vadd.f32 v16, v17;
	v25 =	vld.idx.msk [tilespmem:v25+s3+$0x0], $0xffff  }
0x160: {  	v29 =	vor.u32 $0x180, v12;
	v17 =	vand.u32 $0xFFFF, v23;
	v23 =	vshrl.u32 v23, $0x10;
	v14 =	vld.idx.msk [tilespmem:v14+s3+$0x0], $0xffff;
	[tilespmem:s19+$0x9300] =	vst v15  }
0x161: {  	v15 =	vsub.s32 v13, v20;
	v16 =	vadd.f32 v18, v16;
	v20 =	vld.idx.msk [tilespmem:v21+s3+$0x0], $0xffff;
	v21 =	vor.u32 $0x380, v8  }
0x162: {  	v17 =	vsub.s32 v13, v17;
	v18 =	vsub.s32 v13, v23;
	v23 =	vsub.s32 v13, v24;
	v24 =	vld.idx.msk [tilespmem:v26+s3+$0x0], $0xffff  }
0x163: {  	v16 =	vmul.f32 $1.250000000e-01, v16;
	v26 =	vld.idx.msk [tilespmem:v27+s3+$0x0], $0xffff;
	v13 =	vmul.f32 $5.000000000e-01, v19;
	v19 =	vadd.s32 $0x4600, v4  }
0x164: {  	v30 =	vadd.s32 $0x4600, v3;
	v27 =	vand.u32 $0x7F, v15;
	v15 =	vshll.u32 v15, $0x3;
	v28 =	vld.idx.msk [tilespmem:v28+s3+$0x0], $0xffff  }
0x165: {  	s24 =	sor.u32 s25, s23;
	s25 =	smov.u32 s30;
	v31 =	vand.u32 $0x7F, v17;
	v32 =	vand.u32 $0x7F, v18;
	v29 =	vld.idx.msk [tilespmem:v29+s3+$0x0], $0xffff;
	v16 =	vadd.f32 v16, v13  }
0x166: {  	s2 =	sadd.s32 $0x80, s2;
	s24 =	sor.u32 $0x380, s24;
	v17 =	vshll.u32 v17, $0x3;
	v13 =	vand.u32 $0xFFFFFC00, v15;
	v15 =	vadd.s32 $0x4600, v2;
	v21 =	vld.idx.msk [tilespmem:v21+s3+$0x0], $0xffff  }
0x167: {  	s30 =	sadd.s32 $0x2400, s2;
	v18 =	vshll.u32 v18, $0x3;
	v14 =	vadd.f32 v14, v25;
	v13 =	vor.u32 v27, v13;
	v25 =	vld [tilespmem:s24+$0x0];
	[tilespmem:s17+$0xB180] =	vst v16  }
0x168: {  	s28 =	sand.u32 $0x70, s11;
	v16 =	vand.u32 $0xFFFFFC00, v17;
	s24 =	sand.u32 $0x7C00, s30;
	v17 =	vadd.f32 v24, v20;
	v20 =	vadd.s32 $0x4600, v1;
	v19 =	vld.idx.msk [tilespmem:v19+s3+$0x0], $0xffff  }
0x169: {  	v18 =	vand.u32 $0xFFFFFC00, v18;
	v16 =	vor.u32 v31, v16;
	s24 =	sor.u32 s28, s24;
	v24 =	vadd.f32 v26, v14;
	v26 =	vld.idx.msk [tilespmem:v30+s3+$0x0], $0xffff  }
0x16a: {  	v14 =	vor.u32 v32, v18;
	v18 =	vshll.u32 v23, $0x3;
	v17 =	vadd.f32 v28, v17;
	v27 =	vld [tilespmem:s24+$0x0]  }
0x16b: {  	v23 =	vand.u32 $0x7F, v23;
	v18 =	vand.u32 $0xFFFFFC00, v18;
	v24 =	vadd.f32 v29, v24;
	v28 =	vld.idx.msk [tilespmem:v15+s3+$0x0], $0xffff  }
0x16c: {  	v15 =	vor.u32 v23, v18;
	v17 =	vadd.f32 v21, v17;
	v18 =	vld.idx.msk [tilespmem:v13+s3+$0x0], $0xffff  }
0x16d: {  	v21 =	vmul.f32 $5.000000000e-01, v22;
	v23 =	vor.u32 $0x200, v11;
	v22 =	vmul.f32 $1.250000000e-01, v24;
	v20 =	vld.idx.msk [tilespmem:v20+s3+$0x0], $0xffff  }
0x16e: {  	v29 =	vadd.s32 $0x4400, v6;
	v25 =	vmul.f32 $5.000000000e-01, v25;
	v17 =	vmul.f32 $1.250000000e-01, v17;
	v24 =	vld.idx.msk [tilespmem:v16+s3+$0x0], $0xffff  }
0x16f: {  	v21 =	vadd.f32 v22, v21;
	v22 =	vadd.s32 $0x4400, v5;
	v19 =	vadd.f32 v26, v19;
	v30 =	vld.idx.msk [tilespmem:v14+s3+$0x0], $0xffff  }
0x170: {  	s23 =	sor.u32 s26, s23;
	s26 =	smov.u32 s0;
	s0 =	smov.u32 s2;
	v26 =	vor.u32 $0x200, v9;
	v17 =	vadd.f32 v17, v25;
	v25 =	vld [tilespmem:s18+$0x4600]  }
0x171: {  	s13 =	sor.u32 $0x380, s23;
	s23 =	smov.u32 s29;
	s29 =	smov.u32 s11;
	v19 =	vadd.f32 v28, v19;
	v31 =	vld.idx.msk [tilespmem:v15+s3+$0x0], $0xffff;
	[tilespmem:s22+$0x9180] =	vst v21;
	v21 =	vadd.s32 $0x4400, v7  }
0x172: {  	v28 =	vor.u32 $0x200, v10;
	v23 =	vld.idx.msk [tilespmem:v23+s3+$0x0], $0xffff;
	[tilespmem:s13+$0x9000] =	vst v17  }
0x173: {  	v19 =	vadd.f32 v20, v19;
	v17 =	vld.idx.msk [tilespmem:v29+s3+$0x0], $0xffff;
	v29 =	vadd.s32 $0x4400, v8  }
0x174: {  	v20 =	vld.idx.msk [tilespmem:v22+s3+$0x0], $0xffff;
	v22 =	vadd.s32 $0x4680, v4  }
0x175: {  	v24 =	vadd.f32 v30, v24;
	v19 =	vmul.f32 $1.250000000e-01, v19;
	v26 =	vld.idx.msk [tilespmem:v26+s3+$0x0], $0xffff;
	v25 =	vmul.f32 $5.000000000e-01, v25  }
0x176: {  	v30 =	vadd.s32 $0x4680, v3;
	v21 =	vld.idx.msk [tilespmem:v21+s3+$0x0], $0xffff  }
0x177: {  	v24 =	vadd.f32 v31, v24;
	v31 =	vor.u32 $0x200, v12;
	v28 =	vld.idx.msk [tilespmem:v28+s3+$0x0], $0xffff;
	v19 =	vadd.f32 v19, v25  }
0x178: {  	v25 =	vld.idx.msk [tilespmem:v29+s3+$0x0], $0xffff;
	v29 =	vadd.s32 $0x4680, v2  }
0x179: {  	v18 =	vadd.f32 v18, v24;
	v24 =	vld [tilespmem:s20+$0x4400];
	[tilespmem:s17+$0xB200] =	vst v19  }
0x17a: {  	v17 =	vadd.f32 v20, v17;
	v20 =	vadd.s32 $0x4680, v1;
	v19 =	vld.idx.msk [tilespmem:v22+s3+$0x0], $0xffff  }
0x17b: {  	v22 =	vmul.f32 $5.000000000e-01, v27;
	v18 =	vmul.f32 $1.250000000e-01, v18;
	v27 =	vor.u32 $0x80, v16;
	v30 =	vld.idx.msk [tilespmem:v30+s3+$0x0], $0xffff  }
0x17c: {  	v32 =	vor.u32 $0x80, v14;
	v17 =	vadd.f32 v21, v17;
	v31 =	vld.idx.msk [tilespmem:v31+s3+$0x0], $0xffff  }
0x17d: {  	s13 =	sand.u32 $0x1C00, s2;
	v18 =	vadd.f32 v18, v22;
	v21 =	vld.idx.msk [tilespmem:v29+s3+$0x0], $0xffff  }
0x17e: {  	s28 =	sor.u32 s28, s13;
	v22 =	vor.u32 $0x80, v15;
	v26 =	vadd.f32 v28, v26;
	v17 =	vadd.f32 v25, v17;
	v28 =	vld [tilespmem:s21+$0x200]  }
0x17f: {  	v25 =	vadd.s32 $0x4480, v6;
	[tilespmem:s28+$0x9000] =	vst v18;
	v18 =	vor.u32 $0x80, v13;
	v29 =	vld.idx.msk [tilespmem:v20+s3+$0x0], $0xffff  }
0x180: {  	v20 =	vadd.f32 v23, v26;
	v23 =	vmul.f32 $5.000000000e-01, v24;
	v17 =	vmul.f32 $1.250000000e-01, v17;
	v27 =	vld.idx.msk [tilespmem:v27+s3+$0x0], $0xffff  }
0x181: {  	v26 =	vadd.s32 $0x4480, v5;
	v19 =	vadd.f32 v30, v19;
	v24 =	vld.idx.msk [tilespmem:v32+s3+$0x0], $0xffff  }
0x182: {  	v20 =	vadd.f32 v31, v20;
	v17 =	vadd.f32 v17, v23;
	v23 =	vld [tilespmem:s18+$0x4680]  }
0x183: {  	v31 =	vadd.s32 $0x4480, v7;
	v19 =	vadd.f32 v21, v19;
	v30 =	vld.idx.msk [tilespmem:v22+s3+$0x0], $0xffff  }
0x184: {  	v33 =	vor.u32 $0x280, v9;
	v21 =	vmul.f32 $1.250000000e-01, v20;
	v32 =	vld.idx.msk [tilespmem:v18+s3+$0x0], $0xffff;
	v18 =	vmul.f32 $5.000000000e-01, v28;
	[tilespmem:s19+$0xB000] =	vst v17  }
0x185: {  	v17 =	vadd.s32 $0x4480, v8;
	v20 =	vld.idx.msk [tilespmem:v25+s3+$0x0], $0xffff;
	v25 =	vadd.f32 v29, v19  }
0x186: {  	v19 =	vadd.s32 $0x4700, v4;
	v18 =	vadd.f32 v21, v18;
	v22 =	vld.idx.msk [tilespmem:v26+s3+$0x0], $0xffff  }
.Ltmp0:
0x187: {  	v24 =	vadd.f32 v24, v27;
	v28 =	vld [tilespmem:s24+$0x80];
	v23 =	vmul.f32 $5.000000000e-01, v23;
	v27 =	vmul.f32 $1.250000000e-01, v25;
	(pc) =	sbr.rel @p3 .LBB2_2-.Ltmp0, $4  }
0x188: {  	[tilespmem:s22+$0x9200] =	vst v18;
	v21 =	vld.idx.msk [tilespmem:v31+s3+$0x0], $0xffff;
	v18 =	vadd.s32 $0x4700, v3  }
0x189: {  	v26 =	vor.u32 $0x280, v10;
	v24 =	vadd.f32 v30, v24;
	v25 =	vld.idx.msk [tilespmem:v33+s3+$0x0], $0xffff;
	v30 =	vadd.f32 v27, v23  }
0x18a: {  	v23 =	vld.idx.msk [tilespmem:v17+s3+$0x0], $0xffff;
	v17 =	vadd.s32 $0x4700, v2  }
0x18b: {  	s11 =	sadd.s32 $0x10, s11;
	v27 =	vor.u32 $0x280, v11;
	v29 =	vadd.f32 v32, v24;
	v24 =	vld [tilespmem:s20+$0x4480];
	[tilespmem:s17+$0xB280] =	vst v30  }
0x18c: {  	_ = 	snop  }
0x18d: {  	v28 =	vmul.f32 $5.000000000e-01, v28;
	v30 =	vor.u32 $0x100, v16;
	v29 =	vmul.f32 $1.250000000e-01, v29  }
0x18e: {  	v31 =	vor.u32 $0x100, v14  }
0x18f: {  	v28 =	vadd.f32 v29, v28  }
0x190: {  	v63 =	vor.u32 $0x100, v15  }
0x191: {  	[tilespmem:s28+$0x9080] =	vst v28  }
0x192: {  	v33 =	vor.u32 $0x100, v13;
	v30 =	vld.idx.msk [tilespmem:v30+s3+$0x0], $0xffff  }
0x193: {  	v31 =	vld.idx.msk [tilespmem:v31+s3+$0x0], $0xffff;
	_ =	sdelay $0x1  }
0x194: {  	v29 =	vld.idx.msk [tilespmem:v63+s3+$0x0], $0xffff;
	_ =	sdelay $0x1  }
0x195: {  	v28 =	vld.idx.msk [tilespmem:v33+s3+$0x0], $0xffff  }
0x196: {  	v30 =	vadd.f32 v31, v30  }
0x197: {  	v34 =	vld [tilespmem:s24+$0x100]  }
0x198: {  	v29 =	vadd.f32 v29, v30;
	_ =	sdelay $0x1  }
0x199: {  	v28 =	vadd.f32 v28, v29;
	_ =	sdelay $0x1  }
0x19a: {  	v36 =	vor.u32 $0x180, v16;
	v35 =	vmul.f32 $5.000000000e-01, v34;
	v28 =	vmul.f32 $1.250000000e-01, v28  }
0x19b: {  	v37 =	vor.u32 $0x180, v14  }
0x19c: {  	v28 =	vadd.f32 v28, v35  }
0x19d: {  	v38 =	vor.u32 $0x180, v15  }
0x19e: {  	[tilespmem:s28+$0x9100] =	vst v28  }
0x19f: {  	v39 =	vor.u32 $0x180, v13;
	v28 =	vld.idx.msk [tilespmem:v36+s3+$0x0], $0xffff  }
0x1a0: {  	v31 =	vld.idx.msk [tilespmem:v37+s3+$0x0], $0xffff;
	_ =	sdelay $0x1  }
0x1a1: {  	v29 =	vld.idx.msk [tilespmem:v38+s3+$0x0], $0xffff;
	_ =	sdelay $0x1  }
0x1a2: {  	v30 =	vld.idx.msk [tilespmem:v39+s3+$0x0], $0xffff  }
0x1a3: {  	v28 =	vadd.f32 v31, v28  }
0x1a4: {  	v40 =	vld [tilespmem:s24+$0x180]  }
0x1a5: {  	v28 =	vadd.f32 v29, v28;
	_ =	sdelay $0x1  }
0x1a6: {  	v28 =	vadd.f32 v30, v28;
	_ =	sdelay $0x1  }
0x1a7: {  	v42 =	vor.u32 $0x200, v16;
	v41 =	vmul.f32 $5.000000000e-01, v40;
	v28 =	vmul.f32 $1.250000000e-01, v28  }
0x1a8: {  	v43 =	vor.u32 $0x200, v14  }
0x1a9: {  	v28 =	vadd.f32 v28, v41  }
0x1aa: {  	v44 =	vor.u32 $0x200, v15  }
0x1ab: {  	[tilespmem:s28+$0x9180] =	vst v28  }
0x1ac: {  	v45 =	vor.u32 $0x200, v13;
	v28 =	vld.idx.msk [tilespmem:v42+s3+$0x0], $0xffff  }
0x1ad: {  	v31 =	vld.idx.msk [tilespmem:v43+s3+$0x0], $0xffff;
	_ =	sdelay $0x1  }
0x1ae: {  	v29 =	vld.idx.msk [tilespmem:v44+s3+$0x0], $0xffff;
	_ =	sdelay $0x1  }
0x1af: {  	v30 =	vld.idx.msk [tilespmem:v45+s3+$0x0], $0xffff  }
0x1b0: {  	v28 =	vadd.f32 v31, v28  }
0x1b1: {  	v46 =	vld [tilespmem:s24+$0x200]  }
0x1b2: {  	v28 =	vadd.f32 v29, v28;
	_ =	sdelay $0x1  }
0x1b3: {  	v28 =	vadd.f32 v30, v28;
	_ =	sdelay $0x1  }
0x1b4: {  	v48 =	vor.u32 $0x280, v16;
	v47 =	vmul.f32 $5.000000000e-01, v46;
	v28 =	vmul.f32 $1.250000000e-01, v28  }
0x1b5: {  	v49 =	vor.u32 $0x280, v14  }
0x1b6: {  	v32 =	vor.u32 $0x280, v12;
	v28 =	vadd.f32 v28, v47  }
0x1b7: {  	v26 =	vld.idx.msk [tilespmem:v26+s3+$0x0], $0xffff;
	v50 =	vor.u32 $0x280, v15  }
0x1b8: {  	v27 =	vld.idx.msk [tilespmem:v27+s3+$0x0], $0xffff;
	[tilespmem:s28+$0x9200] =	vst v28  }
0x1b9: {  	v51 =	vor.u32 $0x280, v13;
	v28 =	vld.idx.msk [tilespmem:v48+s3+$0x0], $0xffff  }
0x1ba: {  	v31 =	vld.idx.msk [tilespmem:v49+s3+$0x0], $0xffff  }
0x1bb: {  	v32 =	vld.idx.msk [tilespmem:v32+s3+$0x0], $0xffff  }
0x1bc: {  	v25 =	vadd.f32 v26, v25;
	v52 =	vld.idx.msk [tilespmem:v50+s3+$0x0], $0xffff  }
0x1bd: {  	v53 =	vld [tilespmem:s21+$0x280]  }
0x1be: {  	v25 =	vadd.f32 v27, v25;
	v54 =	vld.idx.msk [tilespmem:v51+s3+$0x0], $0xffff  }
0x1bf: {  	v28 =	vadd.f32 v31, v28  }
0x1c0: {  	v25 =	vadd.f32 v32, v25;
	v55 =	vld [tilespmem:s24+$0x280]  }
0x1c1: {  	v26 =	vadd.f32 v52, v28  }
0x1c2: {  	v57 =	vor.u32 $0x300, v10;
	v25 =	vmul.f32 $1.250000000e-01, v25;
	v29 =	vmul.f32 $5.000000000e-01, v53  }
0x1c3: {  	v56 =	vor.u32 $0x300, v9;
	v26 =	vadd.f32 v54, v26  }
0x1c4: {  	v58 =	vor.u32 $0x300, v11;
	v25 =	vadd.f32 v25, v29  }
0x1c5: {  	v59 =	vor.u32 $0x300, v16;
	v30 =	vmul.f32 $5.000000000e-01, v55;
	v26 =	vmul.f32 $1.250000000e-01, v26  }
0x1c6: {  	v60 =	vor.u32 $0x300, v14;
	[tilespmem:s22+$0x9280] =	vst v25  }
0x1c7: {  	v61 =	vor.u32 $0x300, v12;
	v62 =	vld.idx.msk [tilespmem:v57+s3+$0x0], $0xffff;
	v26 =	vadd.f32 v26, v30  }
0x1c8: {  	v63 =	vor.u32 $0x300, v15;
	v28 =	vld.idx.msk [tilespmem:v56+s3+$0x0], $0xffff  }
0x1c9: {  	v27 =	vld.idx.msk [tilespmem:v58+s3+$0x0], $0xffff;
	[tilespmem:s28+$0x9280] =	vst v26  }
0x1ca: {  	v36 =	vor.u32 $0x300, v13;
	v26 =	vld.idx.msk [tilespmem:v59+s3+$0x0], $0xffff  }
0x1cb: {  	v25 =	vld.idx.msk [tilespmem:v60+s3+$0x0], $0xffff  }
0x1cc: {  	v32 =	vld.idx.msk [tilespmem:v61+s3+$0x0], $0xffff  }
0x1cd: {  	v28 =	vadd.f32 v62, v28;
	v37 =	vld.idx.msk [tilespmem:v63+s3+$0x0], $0xffff  }
0x1ce: {  	v38 =	vld [tilespmem:s21+$0x300]  }
0x1cf: {  	v27 =	vadd.f32 v27, v28;
	v39 =	vld.idx.msk [tilespmem:v36+s3+$0x0], $0xffff  }
0x1d0: {  	v25 =	vadd.f32 v25, v26  }
0x1d1: {  	v40 =	vadd.f32 v32, v27;
	v41 =	vld [tilespmem:s24+$0x300]  }
0x1d2: {  	v25 =	vadd.f32 v37, v25  }
0x1d3: {  	v43 =	vor.u32 $0x380, v9;
	v42 =	vmul.f32 $5.000000000e-01, v38;
	v26 =	vmul.f32 $1.250000000e-01, v40  }
0x1d4: {  	v44 =	vor.u32 $0x380, v10;
	v25 =	vadd.f32 v39, v25  }
0x1d5: {  	v45 =	vor.u32 $0x380, v11;
	v26 =	vadd.f32 v26, v42  }
0x1d6: {  	v46 =	vor.u32 $0x380, v16;
	v27 =	vmul.f32 $5.000000000e-01, v41;
	v25 =	vmul.f32 $1.250000000e-01, v25  }
0x1d7: {  	v47 =	vor.u32 $0x380, v14;
	[tilespmem:s22+$0x9300] =	vst v26  }
0x1d8: {  	v48 =	vor.u32 $0x380, v12;
	v30 =	vld.idx.msk [tilespmem:v43+s3+$0x0], $0xffff;
	v25 =	vadd.f32 v25, v27  }
0x1d9: {  	v50 =	vor.u32 $0x380, v15;
	v49 =	vld.idx.msk [tilespmem:v44+s3+$0x0], $0xffff  }
0x1da: {  	v28 =	vld.idx.msk [tilespmem:v45+s3+$0x0], $0xffff;
	[tilespmem:s28+$0x9300] =	vst v25  }
0x1db: {  	v51 =	vor.u32 $0x380, v13;
	v25 =	vld.idx.msk [tilespmem:v46+s3+$0x0], $0xffff  }
0x1dc: {  	v26 =	vld.idx.msk [tilespmem:v47+s3+$0x0], $0xffff  }
0x1dd: {  	s2 =	sor.u32 s25, s23;
	v32 =	vld.idx.msk [tilespmem:v48+s3+$0x0], $0xffff  }
0x1de: {  	s2 =	sor.u32 $0x380, s2;
	v27 =	vadd.f32 v49, v30;
	v52 =	vld.idx.msk [tilespmem:v50+s3+$0x0], $0xffff  }
0x1df: {  	v53 =	vld [tilespmem:s2+$0x0]  }
0x1e0: {  	s25 =	sor.u32 s30, s29;
	v54 =	vld.idx.msk [tilespmem:v51+s3+$0x0], $0xffff;
	v27 =	vadd.f32 v28, v27  }
0x1e1: {  	s2 =	sor.u32 $0x380, s25;
	v25 =	vadd.f32 v26, v25  }
0x1e2: {  	v56 =	vld [tilespmem:s2+$0x0];
	v55 =	vadd.f32 v32, v27  }
0x1e3: {  	v25 =	vadd.f32 v52, v25  }
0x1e4: {  	v58 =	vadd.s32 $0x4400, v9;
	v57 =	vmul.f32 $5.000000000e-01, v53;
	v26 =	vmul.f32 $1.250000000e-01, v55  }
0x1e5: {  	v59 =	vadd.s32 $0x4400, v10;
	v25 =	vadd.f32 v54, v25  }
0x1e6: {  	s30 =	sor.u32 s26, s23;
	v60 =	vadd.s32 $0x4400, v11;
	v26 =	vadd.f32 v26, v57  }
0x1e7: {  	v61 =	vadd.s32 $0x4400, v16;
	s2 =	sor.u32 $0x380, s30;
	v27 =	vmul.f32 $5.000000000e-01, v56;
	v25 =	vmul.f32 $1.250000000e-01, v25  }
0x1e8: {  	v62 =	vadd.s32 $0x4400, v14;
	[tilespmem:s2+$0x9000] =	vst v26  }
0x1e9: {  	s0 =	sor.u32 s0, s29;
	v63 =	vadd.s32 $0x4400, v12;
	v30 =	vld.idx.msk [tilespmem:v58+s3+$0x0], $0xffff;
	v25 =	vadd.f32 v25, v27  }
0x1ea: {  	s0 =	sor.u32 $0x380, s0;
	v37 =	vadd.s32 $0x4400, v15;
	v36 =	vld.idx.msk [tilespmem:v59+s3+$0x0], $0xffff  }
0x1eb: {  	v28 =	vld.idx.msk [tilespmem:v60+s3+$0x0], $0xffff;
	[tilespmem:s0+$0x9000] =	vst v25  }
0x1ec: {  	v38 =	vadd.s32 $0x4400, v13;
	v25 =	vld.idx.msk [tilespmem:v61+s3+$0x0], $0xffff  }
0x1ed: {  	v26 =	vld.idx.msk [tilespmem:v62+s3+$0x0], $0xffff  }
0x1ee: {  	v32 =	vld.idx.msk [tilespmem:v63+s3+$0x0], $0xffff  }
0x1ef: {  	v27 =	vadd.f32 v36, v30;
	v39 =	vld.idx.msk [tilespmem:v37+s3+$0x0], $0xffff  }
0x1f0: {  	v40 =	vld [tilespmem:s21+$0x4400]  }
0x1f1: {  	v41 =	vld.idx.msk [tilespmem:v38+s3+$0x0], $0xffff;
	v27 =	vadd.f32 v28, v27  }
0x1f2: {  	v25 =	vadd.f32 v26, v25  }
0x1f3: {  	v43 =	vld [tilespmem:s24+$0x4400];
	v42 =	vadd.f32 v32, v27  }
0x1f4: {  	v25 =	vadd.f32 v39, v25  }
0x1f5: {  	v44 =	vadd.s32 $0x4480, v9;
	v45 =	vmul.f32 $5.000000000e-01, v40;
	v26 =	vmul.f32 $1.250000000e-01, v42  }
0x1f6: {  	v46 =	vadd.s32 $0x4480, v10;
	v25 =	vadd.f32 v41, v25  }
0x1f7: {  	v47 =	vadd.s32 $0x4480, v11;
	v26 =	vadd.f32 v26, v45  }
0x1f8: {  	v48 =	vadd.s32 $0x4480, v16;
	v27 =	vmul.f32 $5.000000000e-01, v43;
	v25 =	vmul.f32 $1.250000000e-01, v25  }
0x1f9: {  	v49 =	vadd.s32 $0x4480, v14;
	[tilespmem:s22+$0xB000] =	vst v26  }
0x1fa: {  	v50 =	vadd.s32 $0x4480, v12;
	v29 =	vld.idx.msk [tilespmem:v44+s3+$0x0], $0xffff;
	v25 =	vadd.f32 v25, v27  }
0x1fb: {  	v20 =	vadd.f32 v22, v20;
	v52 =	vadd.s32 $0x4480, v15;
	v51 =	vld.idx.msk [tilespmem:v46+s3+$0x0], $0xffff  }
0x1fc: {  	v28 =	vld.idx.msk [tilespmem:v47+s3+$0x0], $0xffff;
	[tilespmem:s28+$0xB000] =	vst v25  }
0x1fd: {  	v20 =	vadd.f32 v21, v20;
	v54 =	vadd.s32 $0x4480, v13;
	v53 =	vld.idx.msk [tilespmem:v48+s3+$0x0], $0xffff  }
0x1fe: {  	v26 =	vld.idx.msk [tilespmem:v49+s3+$0x0], $0xffff  }
0x1ff: {  	v20 =	vadd.f32 v23, v20;
	v55 =	vld.idx.msk [tilespmem:v50+s3+$0x0], $0xffff  }
0x200: {  	v22 =	vadd.f32 v51, v29;
	v27 =	vld.idx.msk [tilespmem:v52+s3+$0x0], $0xffff  }
0x201: {  	v24 =	vmul.f32 $5.000000000e-01, v24;
	v20 =	vmul.f32 $1.250000000e-01, v20;
	v56 =	vadd.s32 $0x4500, v6;
	v57 =	vld [tilespmem:s21+$0x4480]  }
0x202: {  	v58 =	vadd.s32 $0x4500, v5;
	v25 =	vld.idx.msk [tilespmem:v54+s3+$0x0], $0xffff;
	v22 =	vadd.f32 v28, v22  }
0x203: {  	v20 =	vadd.f32 v20, v24;
	v59 =	vadd.s32 $0x4500, v7;
	v21 =	vadd.f32 v26, v53  }
0x204: {  	v61 =	vld [tilespmem:s24+$0x4480];
	v22 =	vadd.f32 v55, v22  }
0x205: {  	[tilespmem:s19+$0xB080] =	vst v20;
	v60 =	vadd.s32 $0x4500, v8;
	v62 =	vadd.f32 v27, v21  }
0x206: {  	v63 =	vld.idx.msk [tilespmem:v56+s3+$0x0], $0xffff;
	v36 =	vadd.s32 $0x4500, v9;
	v35 =	vmul.f32 $5.000000000e-01, v57;
	v22 =	vmul.f32 $1.250000000e-01, v22  }
0x207: {  	v37 =	vld.idx.msk [tilespmem:v58+s3+$0x0], $0xffff;
	v38 =	vadd.s32 $0x4500, v10;
	v20 =	vadd.f32 v25, v62  }
0x208: {  	v24 =	vld.idx.msk [tilespmem:v59+s3+$0x0], $0xffff;
	v39 =	vadd.s32 $0x4500, v11;
	v22 =	vadd.f32 v22, v35  }
0x209: {  	v40 =	vadd.s32 $0x4500, v16;
	v41 =	vld [tilespmem:s20+$0x4500];
	v23 =	vmul.f32 $5.000000000e-01, v61;
	v20 =	vmul.f32 $1.250000000e-01, v20  }
0x20a: {  	v42 =	vadd.s32 $0x4500, v14;
	v26 =	vld.idx.msk [tilespmem:v60+s3+$0x0], $0xffff;
	[tilespmem:s22+$0xB080] =	vst v22  }
0x20b: {  	v43 =	vadd.s32 $0x4500, v12;
	v28 =	vld.idx.msk [tilespmem:v36+s3+$0x0], $0xffff;
	v20 =	vadd.f32 v20, v23  }
0x20c: {  	v45 =	vadd.s32 $0x4500, v15;
	v21 =	vadd.f32 v37, v63;
	v44 =	vld.idx.msk [tilespmem:v38+s3+$0x0], $0xffff  }
0x20d: {  	v25 =	vld.idx.msk [tilespmem:v39+s3+$0x0], $0xffff;
	[tilespmem:s28+$0xB080] =	vst v20  }
0x20e: {  	v48 =	vadd.s32 $0x4500, v13;
	v46 =	vadd.f32 v24, v21;
	v47 =	vld.idx.msk [tilespmem:v40+s3+$0x0], $0xffff  }
0x20f: {  	v22 =	vld.idx.msk [tilespmem:v42+s3+$0x0], $0xffff  }
0x210: {  	v49 =	vld.idx.msk [tilespmem:v43+s3+$0x0], $0xffff;
	v20 =	vadd.f32 v26, v46  }
0x211: {  	v23 =	vadd.f32 v44, v28;
	v50 =	vld.idx.msk [tilespmem:v45+s3+$0x0], $0xffff  }
0x212: {  	v51 =	vadd.s32 $0x4580, v6;
	v52 =	vmul.f32 $5.000000000e-01, v41;
	v53 =	vld [tilespmem:s21+$0x4500];
	v20 =	vmul.f32 $1.250000000e-01, v20  }
0x213: {  	v54 =	vadd.s32 $0x4580, v5;
	v24 =	vld.idx.msk [tilespmem:v48+s3+$0x0], $0xffff;
	v23 =	vadd.f32 v25, v23  }
0x214: {  	v55 =	vadd.s32 $0x4580, v7;
	v20 =	vadd.f32 v20, v52;
	v21 =	vadd.f32 v22, v47  }
0x215: {  	v56 =	vadd.s32 $0x4580, v8;
	v57 =	vld [tilespmem:s24+$0x4500];
	v23 =	vadd.f32 v49, v23  }
0x216: {  	v19 =	vld.idx.msk [tilespmem:v19+s3+$0x0], $0xffff;
	[tilespmem:s19+$0xB100] =	vst v20;
	v58 =	vadd.f32 v50, v21  }
0x217: {  	v60 =	vadd.s32 $0x4580, v9;
	v61 =	vmul.f32 $5.000000000e-01, v53;
	v23 =	vmul.f32 $1.250000000e-01, v23;
	v59 =	vld.idx.msk [tilespmem:v51+s3+$0x0], $0xffff  }
0x218: {  	v63 =	vadd.s32 $0x4580, v10;
	v62 =	vld.idx.msk [tilespmem:v54+s3+$0x0], $0xffff;
	v20 =	vadd.f32 v24, v58  }
0x219: {  	v37 =	vadd.s32 $0x4580, v11;
	v36 =	vld.idx.msk [tilespmem:v55+s3+$0x0], $0xffff;
	v23 =	vadd.f32 v23, v61  }
0x21a: {  	v38 =	vadd.s32 $0x4580, v16;
	v26 =	vmul.f32 $5.000000000e-01, v57;
	v22 =	vld.idx.msk [tilespmem:v56+s3+$0x0], $0xffff;
	v20 =	vmul.f32 $1.250000000e-01, v20  }
0x21b: {  	v40 =	vadd.s32 $0x4580, v14;
	v39 =	vld [tilespmem:s20+$0x4580];
	[tilespmem:s22+$0xB100] =	vst v23  }
0x21c: {  	v41 =	vadd.s32 $0x4580, v12;
	v27 =	vld.idx.msk [tilespmem:v60+s3+$0x0], $0xffff;
	v20 =	vadd.f32 v20, v26  }
0x21d: {  	v43 =	vadd.s32 $0x4580, v15;
	v42 =	vld.idx.msk [tilespmem:v63+s3+$0x0], $0xffff;
	v21 =	vadd.f32 v62, v59  }
0x21e: {  	v25 =	vld.idx.msk [tilespmem:v37+s3+$0x0], $0xffff;
	[tilespmem:s28+$0xB100] =	vst v20  }
0x21f: {  	v46 =	vadd.s32 $0x4580, v13;
	v44 =	vadd.f32 v36, v21;
	v45 =	vld.idx.msk [tilespmem:v38+s3+$0x0], $0xffff  }
0x220: {  	v23 =	vld.idx.msk [tilespmem:v40+s3+$0x0], $0xffff  }
0x221: {  	v47 =	vld.idx.msk [tilespmem:v41+s3+$0x0], $0xffff;
	v20 =	vadd.f32 v22, v44  }
0x222: {  	v26 =	vadd.f32 v42, v27;
	v48 =	vld.idx.msk [tilespmem:v43+s3+$0x0], $0xffff  }
0x223: {  	v50 =	vadd.s32 $0x4600, v6;
	v51 =	vld [tilespmem:s21+$0x4580];
	v49 =	vmul.f32 $5.000000000e-01, v39;
	v20 =	vmul.f32 $1.250000000e-01, v20  }
0x224: {  	v52 =	vadd.s32 $0x4600, v5;
	v24 =	vld.idx.msk [tilespmem:v46+s3+$0x0], $0xffff;
	v25 =	vadd.f32 v25, v26  }
0x225: {  	v18 =	vld.idx.msk [tilespmem:v18+s3+$0x0], $0xffff;
	v53 =	vadd.s32 $0x4600, v7;
	v20 =	vadd.f32 v20, v49;
	v21 =	vadd.f32 v23, v45  }
0x226: {  	v54 =	vadd.s32 $0x4600, v8;
	v55 =	vld [tilespmem:s24+$0x4580];
	v22 =	vadd.f32 v47, v25  }
0x227: {  	v17 =	vld.idx.msk [tilespmem:v17+s3+$0x0], $0xffff;
	[tilespmem:s19+$0xB180] =	vst v20;
	v56 =	vadd.f32 v48, v21  }
0x228: {  	v59 =	vadd.s32 $0x4600, v9;
	v58 =	vmul.f32 $5.000000000e-01, v51;
	v22 =	vmul.f32 $1.250000000e-01, v22;
	v57 =	vld.idx.msk [tilespmem:v50+s3+$0x0], $0xffff  }
0x229: {  	v61 =	vadd.s32 $0x4600, v10;
	v60 =	vld.idx.msk [tilespmem:v52+s3+$0x0], $0xffff;
	v20 =	vadd.f32 v24, v56  }
0x22a: {  	v63 =	vadd.s32 $0x4600, v11;
	v62 =	vld.idx.msk [tilespmem:v53+s3+$0x0], $0xffff;
	v22 =	vadd.f32 v22, v58  }
0x22b: {  	v36 =	vadd.s32 $0x4600, v16;
	v25 =	vmul.f32 $5.000000000e-01, v55;
	v23 =	vld.idx.msk [tilespmem:v54+s3+$0x0], $0xffff;
	v20 =	vmul.f32 $1.250000000e-01, v20  }
0x22c: {  	v38 =	vadd.s32 $0x4600, v14;
	v37 =	vld [tilespmem:s20+$0x4600];
	[tilespmem:s22+$0xB180] =	vst v22  }
0x22d: {  	v39 =	vadd.s32 $0x4600, v12;
	v28 =	vld.idx.msk [tilespmem:v59+s3+$0x0], $0xffff;
	v20 =	vadd.f32 v20, v25  }
0x22e: {  	v41 =	vadd.s32 $0x4600, v15;
	v40 =	vld.idx.msk [tilespmem:v61+s3+$0x0], $0xffff;
	v21 =	vadd.f32 v60, v57  }
0x22f: {  	v26 =	vld.idx.msk [tilespmem:v63+s3+$0x0], $0xffff;
	[tilespmem:s28+$0xB180] =	vst v20  }
0x230: {  	v44 =	vadd.s32 $0x4600, v13;
	v42 =	vadd.f32 v62, v21;
	v43 =	vld.idx.msk [tilespmem:v36+s3+$0x0], $0xffff  }
0x231: {  	v22 =	vld.idx.msk [tilespmem:v38+s3+$0x0], $0xffff  }
0x232: {  	v46 =	vld.idx.msk [tilespmem:v39+s3+$0x0], $0xffff;
	v20 =	vadd.f32 v23, v42  }
0x233: {  	v45 =	vadd.s32 $0x4700, v1;
	v25 =	vadd.f32 v40, v28;
	v47 =	vld.idx.msk [tilespmem:v41+s3+$0x0], $0xffff  }
0x234: {  	v48 =	vadd.s32 $0x4680, v6;
	v50 =	vld [tilespmem:s21+$0x4600];
	v49 =	vmul.f32 $5.000000000e-01, v37;
	v20 =	vmul.f32 $1.250000000e-01, v20  }
0x235: {  	v51 =	vadd.s32 $0x4680, v5;
	v24 =	vld.idx.msk [tilespmem:v44+s3+$0x0], $0xffff;
	v25 =	vadd.f32 v26, v25  }
0x236: {  	v53 =	vadd.s32 $0x4680, v7;
	v56 =	vld [tilespmem:s18+$0x4700];
	v20 =	vadd.f32 v20, v49;
	v21 =	vadd.f32 v22, v43  }
0x237: {  	v54 =	vadd.s32 $0x4680, v8;
	v55 =	vld [tilespmem:s24+$0x4600];
	v23 =	vadd.f32 v46, v25  }
0x238: {  	v52 =	vld.idx.msk [tilespmem:v45+s3+$0x0], $0xffff;
	[tilespmem:s19+$0xB200] =	vst v20;
	v57 =	vadd.f32 v47, v21  }
0x239: {  	v59 =	vadd.s32 $0x4680, v9;
	v60 =	vmul.f32 $5.000000000e-01, v50;
	v23 =	vmul.f32 $1.250000000e-01, v23;
	v58 =	vld.idx.msk [tilespmem:v48+s3+$0x0], $0xffff  }
0x23a: {  	v62 =	vadd.s32 $0x4680, v10;
	v61 =	vld.idx.msk [tilespmem:v51+s3+$0x0], $0xffff;
	v20 =	vadd.f32 v24, v57  }
0x23b: {  	v18 =	vadd.f32 v18, v19;
	v33 =	vadd.s32 $0x4680, v11;
	v63 =	vld.idx.msk [tilespmem:v53+s3+$0x0], $0xffff;
	v23 =	vadd.f32 v23, v60  }
0x23c: {  	v34 =	vadd.s32 $0x4680, v16;
	v25 =	vmul.f32 $5.000000000e-01, v55;
	v22 =	vld.idx.msk [tilespmem:v54+s3+$0x0], $0xffff;
	v20 =	vmul.f32 $1.250000000e-01, v20  }
0x23d: {  	v36 =	vadd.s32 $0x4680, v14;
	v35 =	vld [tilespmem:s20+$0x4680];
	[tilespmem:s22+$0xB200] =	vst v23  }
0x23e: {  	v17 =	vadd.f32 v17, v18;
	v38 =	vadd.s32 $0x4680, v12;
	v37 =	vld.idx.msk [tilespmem:v59+s3+$0x0], $0xffff;
	v20 =	vadd.f32 v20, v25  }
0x23f: {  	v40 =	vadd.s32 $0x4680, v15;
	v39 =	vld.idx.msk [tilespmem:v62+s3+$0x0], $0xffff;
	v21 =	vadd.f32 v61, v58  }
0x240: {  	v17 =	vadd.f32 v52, v17;
	v24 =	vld.idx.msk [tilespmem:v33+s3+$0x0], $0xffff;
	[tilespmem:s28+$0xB200] =	vst v20  }
0x241: {  	v41 =	vadd.s32 $0x4680, v13;
	v19 =	vadd.f32 v63, v21;
	v20 =	vld.idx.msk [tilespmem:v34+s3+$0x0], $0xffff  }
0x242: {  	v4 =	vadd.s32 $0x4780, v4;
	v42 =	vmul.f32 $5.000000000e-01, v56;
	v17 =	vmul.f32 $1.250000000e-01, v17;
	v23 =	vld.idx.msk [tilespmem:v36+s3+$0x0], $0xffff  }
0x243: {  	v43 =	vld.idx.msk [tilespmem:v38+s3+$0x0], $0xffff;
	v19 =	vadd.f32 v22, v19  }
0x244: {  	v3 =	vadd.s32 $0x4780, v3;
	v17 =	vadd.f32 v17, v42;
	v18 =	vadd.f32 v39, v37;
	v44 =	vld.idx.msk [tilespmem:v40+s3+$0x0], $0xffff  }
0x245: {  	v45 =	vadd.s32 $0x4700, v6;
	v47 =	vld [tilespmem:s21+$0x4680];
	v46 =	vmul.f32 $5.000000000e-01, v35;
	v19 =	vmul.f32 $1.250000000e-01, v19  }
0x246: {  	[tilespmem:s17+$0xB300] =	vst v17;
	v48 =	vadd.s32 $0x4700, v5;
	v21 =	vld.idx.msk [tilespmem:v41+s3+$0x0], $0xffff;
	v18 =	vadd.f32 v24, v18  }
0x247: {  	v49 =	vadd.s32 $0x4700, v7;
	v4 =	vld.idx.msk [tilespmem:v4+s3+$0x0], $0xffff;
	v19 =	vadd.f32 v19, v46;
	v20 =	vadd.f32 v23, v20  }
0x248: {  	v50 =	vadd.s32 $0x4700, v8;
	v51 =	vld [tilespmem:s24+$0x4680];
	v18 =	vadd.f32 v43, v18  }
0x249: {  	v3 =	vld.idx.msk [tilespmem:v3+s3+$0x0], $0xffff;
	[tilespmem:s19+$0xB280] =	vst v19;
	v52 =	vadd.f32 v44, v20  }
0x24a: {  	v54 =	vadd.s32 $0x4700, v9;
	v55 =	vmul.f32 $5.000000000e-01, v47;
	v18 =	vmul.f32 $1.250000000e-01, v18;
	v53 =	vld.idx.msk [tilespmem:v45+s3+$0x0], $0xffff  }
0x24b: {  	v56 =	vadd.s32 $0x4700, v10;
	v17 =	vld.idx.msk [tilespmem:v48+s3+$0x0], $0xffff;
	v19 =	vadd.f32 v21, v52  }
0x24c: {  	v58 =	vadd.s32 $0x4700, v11;
	v57 =	vld.idx.msk [tilespmem:v49+s3+$0x0], $0xffff;
	v18 =	vadd.f32 v18, v55  }
0x24d: {  	v59 =	vadd.s32 $0x4700, v16;
	v22 =	vmul.f32 $5.000000000e-01, v51;
	v23 =	vld.idx.msk [tilespmem:v50+s3+$0x0], $0xffff;
	v19 =	vmul.f32 $1.250000000e-01, v19  }
0x24e: {  	v61 =	vadd.s32 $0x4700, v14;
	v60 =	vld [tilespmem:s20+$0x4700];
	[tilespmem:s22+$0xB280] =	vst v18  }
0x24f: {  	v62 =	vadd.s32 $0x4700, v12;
	v25 =	vld.idx.msk [tilespmem:v54+s3+$0x0], $0xffff;
	v19 =	vadd.f32 v19, v22  }
0x250: {  	v30 =	vadd.s32 $0x4700, v15;
	v63 =	vld.idx.msk [tilespmem:v56+s3+$0x0], $0xffff  }
0x251: {  	v31 =	vld.idx.msk [tilespmem:v58+s3+$0x0], $0xffff;
	v17 =	vadd.f32 v17, v53;
	[tilespmem:s28+$0xB280] =	vst v19  }
0x252: {  	v32 =	vadd.s32 $0x4700, v13;
	v19 =	vld.idx.msk [tilespmem:v59+s3+$0x0], $0xffff  }
0x253: {  	v2 =	vadd.s32 $0x4780, v2;
	v17 =	vadd.f32 v57, v17;
	v18 =	vld.idx.msk [tilespmem:v61+s3+$0x0], $0xffff  }
0x254: {  	v33 =	vld.idx.msk [tilespmem:v62+s3+$0x0], $0xffff  }
0x255: {  	v1 =	vadd.s32 $0x4780, v1;
	v17 =	vadd.f32 v23, v17;
	v34 =	vld.idx.msk [tilespmem:v30+s3+$0x0], $0xffff  }
0x256: {  	v36 =	vld [tilespmem:s21+$0x4700];
	v22 =	vadd.f32 v63, v25  }
0x257: {  	v35 =	vadd.s32 $0x4780, v6;
	v37 =	vmul.f32 $5.000000000e-01, v60;
	v38 =	vld.idx.msk [tilespmem:v32+s3+$0x0], $0xffff;
	v17 =	vmul.f32 $1.250000000e-01, v17  }
0x258: {  	v2 =	vld.idx.msk [tilespmem:v2+s3+$0x0], $0xffff;
	v39 =	vadd.s32 $0x4780, v5;
	v20 =	vadd.f32 v31, v22;
	v18 =	vadd.f32 v18, v19  }
0x259: {  	v40 =	vadd.s32 $0x4780, v7;
	v42 =	vld [tilespmem:s24+$0x4700];
	v17 =	vadd.f32 v17, v37  }
0x25a: {  	v1 =	vld.idx.msk [tilespmem:v1+s3+$0x0], $0xffff;
	v43 =	vadd.s32 $0x4780, v8;
	v41 =	vadd.f32 v33, v20;
	v18 =	vadd.f32 v34, v18  }
0x25b: {  	v46 =	vadd.s32 $0x4780, v9;
	v44 =	vld [tilespmem:s18+$0x4780];
	[tilespmem:s19+$0xB300] =	vst v17  }
0x25c: {  	v45 =	vmul.f32 $5.000000000e-01, v36;
	v19 =	vmul.f32 $1.250000000e-01, v41;
	v6 =	vld.idx.msk [tilespmem:v35+s3+$0x0], $0xffff;
	v18 =	vadd.f32 v38, v18  }
0x25d: {  	v47 =	vadd.s32 $0x4780, v10;
	v48 =	vadd.s32 $0x4780, v16;
	v5 =	vld.idx.msk [tilespmem:v39+s3+$0x0], $0xffff  }
0x25e: {  	v49 =	vmul.f32 $5.000000000e-01, v42;
	v7 =	vld.idx.msk [tilespmem:v40+s3+$0x0], $0xffff;
	v17 =	vadd.f32 v19, v45;
	v18 =	vmul.f32 $1.250000000e-01, v18  }
0x25f: {  	v50 =	vadd.s32 $0x4780, v14;
	v8 =	vld.idx.msk [tilespmem:v43+s3+$0x0], $0xffff  }
0x260: {  	v52 =	vadd.s32 $0x4780, v11;
	v51 =	vld [tilespmem:s20+$0x4780];
	[tilespmem:s22+$0xB300] =	vst v17;
	v53 =	vadd.f32 v18, v49  }
0x261: {  	v54 =	vadd.s32 $0x4780, v15;
	v9 =	vld.idx.msk [tilespmem:v46+s3+$0x0], $0xffff  }
0x262: {  	v55 =	vadd.s32 $0x4780, v12;
	v10 =	vld.idx.msk [tilespmem:v47+s3+$0x0], $0xffff;
	[tilespmem:s28+$0xB300] =	vst v53  }
0x263: {  	v56 =	vadd.s32 $0x4780, v13;
	v16 =	vld.idx.msk [tilespmem:v48+s3+$0x0], $0xffff  }
0x264: {  	v14 =	vld.idx.msk [tilespmem:v50+s3+$0x0], $0xffff  }
0x265: {  	v11 =	vld.idx.msk [tilespmem:v52+s3+$0x0], $0xffff  }
0x266: {  	v3 =	vadd.f32 v3, v4;
	v57 =	vld.idx.msk [tilespmem:v54+s3+$0x0], $0xffff  }
0x267: {  	v58 =	vld.idx.msk [tilespmem:v55+s3+$0x0], $0xffff;
	v5 =	vadd.f32 v5, v6  }
0x268: {  	v2 =	vadd.f32 v2, v3;
	v3 =	vadd.f32 v10, v9;
	v59 =	vld.idx.msk [tilespmem:v56+s3+$0x0], $0xffff  }
0x269: {  	v60 =	vld [tilespmem:s21+$0x4780];
	v5 =	vadd.f32 v7, v5;
	v61 =	vadd.f32 v14, v16  }
0x26a: {  	v1 =	vadd.f32 v1, v2;
	v2 =	vadd.f32 v11, v3;
	v3 =	vld [tilespmem:s24+$0x4780]  }
0x26b: {  	v5 =	vadd.f32 v8, v5;
	v4 =	vadd.f32 v57, v61  }
0x26c: {  	v1 =	vmul.f32 $1.250000000e-01, v1;
	v62 =	vmul.f32 $5.000000000e-01, v44;
	v2 =	vadd.f32 v58, v2  }
0x26d: {  	v63 =	vmul.f32 $5.000000000e-01, v51;
	v5 =	vmul.f32 $1.250000000e-01, v5;
	v4 =	vadd.f32 v59, v4  }
0x26e: {  	v1 =	vadd.f32 v1, v62;
	v7 =	vmul.f32 $5.000000000e-01, v60;
	v2 =	vmul.f32 $1.250000000e-01, v2  }
0x26f: {  	v5 =	vadd.f32 v5, v63;
	v3 =	vmul.f32 $5.000000000e-01, v3;
	v4 =	vmul.f32 $1.250000000e-01, v4  }
0x270: {  	[tilespmem:s17+$0xB380] =	vst v1;
	v1 =	vadd.f32 v2, v7  }
0x271: {  	s16 =	sadd.s32 $0x1, s16;
	[tilespmem:s19+$0xB380] =	vst v5;
	v2 =	vadd.f32 v4, v3  }
0x272: {  	p3 =	sne.s32 s16, s8;
	[tilespmem:s22+$0xB380] =	vst v1  }
.Ltmp1:
0x273: {  	s31 =	simm.s32 $0x2000;
	[tilespmem:s28+$0xB380] =	vst v2;
	(pc) =	sbr.rel @p3 .LBB2_1-.Ltmp1, $4  }
0x274: {  	[hbm4b:s7+s31] =	stream.strided.scatter [tilespmem:s15], [sflag:$0x1], $0x4000, s14, s31, $0x38;
	[tilespmem:$0xD000] =	vst v63  }
0x275: {  	_ =	swait.ge [sflag:s12], $0x4000  }
0x276: {  	[sflag:s12] =	ssyncset.done $0x0  }
0x277: {  	[sflag:s12] =	ssyncadd.s32 $0xFFFFC000  }
0x278: {  	_ =	sfence.sel $0x180000  }
0x279: {  	[bflag:$0x0] =	sbarrier.arrive $0xFFFF  }
0x27a: {  	_ =	strace $0x90000047  }
0x27b: {  	s0 =	stileid.u32;
	[bflag:$0x2] =	sbarrier.arrive $0xFFFF  }
0x27c: {  	p0 =	sne.s32 s0, $0x0;
	s0 =	rddreg [dreg:$0x3]  }
0x27d: {  	s0 =	sadd.s32 @!p0 $0x100000, s0  }
0x27e: {  	[sflag:s0] =	ssyncadd.tile.s32 @!p0 $0x1;
	_ =	shalt  }
.Lfunc_end2:
_tile_overlayer_lowered:
.L_overlay_start_2:
0x27f: {  	(tag) =	ssettag $0x2  }
0x280: {  	s0 =	rddreg [dreg:$0x0];
	s2 =	stileid.u32  }
0x281: {  	s1 =	rddreg [dreg:$0x1];
	p0 =	sne.s32 s2, $0x0  }
0x282: {  	s3 =	rddreg [dreg:$0x2];
	[bflag:$0x3] =	sbarrier.arrive $0xFFFF;
	s2 =	simm.s32 @!p0 $0x1C02  }
0x283: {  	[timem:s3], [sflag:s2] =	dma.local @!p0 [hbm:s0], s1  }
0x284: {  	s0 =	simm.s32 @!p0 $0x2  }
0x285: {  	_ =	swait.ge @!p0 [sflag:s0], s1  }
0x286: {  	s1 =	ssub.s32 @!p0 $0x0, s1;
	[sflag:s0] =	ssyncset.done @!p0 $0x0  }
0x287: {  	[sflag:s0] =	ssyncadd.s32 @!p0 s1  }
0x288: {  	[bflag:$0x3] =	sbarrier.arrive $0xFFFF  }
0x289: {  	_ =	shalt  }

</sc_bundles>
